<compile_context>
chip_gen: v7x
topology: tpu7x:2x2x1
jax: 0.10.2.dev20260603
libtpu: 0.0.44.dev20260713+nightly
codegen_flags: <defaults>
</compile_context>

<pallas_src>
import jax
import jax.numpy as jnp
from jax import lax
from jax.experimental import pallas as pl
from jax.experimental.pallas import tpu as pltpu
from jax.experimental.pallas import tpu_sc as plsc

N = 10000
E = 320000
D = 128
DH = D // 2
NC, NS = 2, 16
CH = 128
CPW = 158
EPAD = NS * CPW * CH
NPAD = 10112
RPT = NPAD // NS


def _sc_body(x0_hbm, x1_hbm, src_hbm, dst_hbm, zacc_hbm, zdeg_hbm, ones_hbm,
             acc_out, deg_out,
             src_v, dst_v, rows_a, rows_b, rows_c, frows_v, ones_v,
             acc_sh, deg_sh, gsem_a, gsem_b, gsem_c):
    c = lax.axis_index("c")
    s = lax.axis_index("s")
    pltpu.sync_copy(zacc_hbm, acc_sh.at[pl.ds(s * RPT, RPT)])
    pltpu.sync_copy(zdeg_hbm, deg_sh.at[pl.ds(s * RPT, RPT)])
    pltpu.sync_copy(src_hbm.at[s], src_v)
    pltpu.sync_copy(dst_hbm.at[s], dst_v)
    pltpu.sync_copy(ones_hbm, ones_v)

    def fire(i, rows, sem):
        @pl.when(c == 0)
        def _():
            pltpu.async_copy(x0_hbm.at[src_v.at[i]], rows, sem)

        @pl.when(c == 1)
        def _():
            pltpu.async_copy(x1_hbm.at[src_v.at[i]], rows, sem)

    def drain(i, rows, sem, par):
        @pl.when(par == c)
        def _():
            pltpu.sync_copy(ones_v, deg_sh.at[dst_v.at[i]], add=True)

        pltpu.make_async_copy(x0_hbm.at[src_v.at[i]], rows, sem).wait()

        @plsc.parallel_loop(0, CH, unroll=8)
        def _(r):
            v0 = plsc.bitcast(rows[r, pl.ds(0, 32)], jnp.int32)
            v1 = plsc.bitcast(rows[r, pl.ds(32, 32)], jnp.int32)
            hi = jnp.int32(-65536)
            frows_v[r, pl.ds(0, 16)] = plsc.bitcast(v0 << 16, jnp.float32)
            frows_v[r, pl.ds(16, 16)] = plsc.bitcast(v0 & hi, jnp.float32)
            frows_v[r, pl.ds(32, 16)] = plsc.bitcast(v1 << 16, jnp.float32)
            frows_v[r, pl.ds(48, 16)] = plsc.bitcast(v1 & hi, jnp.float32)

        pltpu.sync_copy(frows_v, acc_sh.at[dst_v.at[i]], add=True)

    fire(0, rows_a, gsem_a)
    fire(1, rows_b, gsem_b)
    plsc.subcore_barrier()

    def body(g, carry):
        i = g * 3
        fire(i + 2, rows_c, gsem_c)
        drain(i, rows_a, gsem_a, lax.rem(i, 2))
        fire(i + 3, rows_a, gsem_a)
        drain(i + 1, rows_b, gsem_b, lax.rem(i + 1, 2))
        fire(i + 4, rows_b, gsem_b)
        drain(i + 2, rows_c, gsem_c, lax.rem(i, 2))
        return carry

    lax.fori_loop(0, CPW // 3, body, 0)
    i = (CPW // 3) * 3
    drain(i, rows_a, gsem_a, lax.rem(i, 2))
    drain(i + 1, rows_b, gsem_b, lax.rem(i + 1, 2))
    plsc.subcore_barrier()
    pltpu.sync_copy(acc_sh.at[pl.ds(s * RPT, RPT)],
                    acc_out.at[c, pl.ds(s * RPT, RPT)])
    pltpu.sync_copy(deg_sh.at[pl.ds(s * RPT, RPT)],
                    deg_out.at[c, pl.ds(s * RPT, RPT)])


def _sc_aggregate(x0, x1, src3d, dst3d, zacc, zdeg, ones):
    mesh = plsc.VectorSubcoreMesh(core_axis_name="c", subcore_axis_name="s")
    out_type = (jax.ShapeDtypeStruct((NC, NPAD, DH), jnp.float32),
                jax.ShapeDtypeStruct((NC, NPAD, 16), jnp.float32))
    kern = pl.kernel(
        _sc_body,
        out_type=out_type,
        mesh=mesh,
        compiler_params=pltpu.CompilerParams(use_tc_tiling_on_sc=False,
                                            needs_layout_passes=False),
        scratch_types=[
            pltpu.VMEM((CPW, CH), jnp.int32),
            pltpu.VMEM((CPW, CH), jnp.int32),
            pltpu.VMEM((CH, DH), jnp.bfloat16),
            pltpu.VMEM((CH, DH), jnp.bfloat16),
            pltpu.VMEM((CH, DH), jnp.bfloat16),
            pltpu.VMEM((CH, DH), jnp.float32),
            pltpu.VMEM((CH, 16), jnp.float32),
            pltpu.VMEM_SHARED((NPAD, DH), jnp.float32),
            pltpu.VMEM_SHARED((NPAD, 16), jnp.float32),
            pltpu.SemaphoreType.DMA,
            pltpu.SemaphoreType.DMA,
            pltpu.SemaphoreType.DMA,
        ],
    )
    return kern(x0, x1, src3d, dst3d, zacc, zdeg, ones)


def _tc_self_body(x_ref, ws_ref, b_ref, o_ref):
    o_ref[...] = jnp.dot(x_ref[...], ws_ref[...],
                         preferred_element_type=jnp.float32,
                         precision=lax.Precision.HIGHEST) + b_ref[...]


def _tc_self(x, W_self, b2d):
    blk = 1000
    return pl.pallas_call(
        _tc_self_body,
        grid=(N // blk,),
        in_specs=[
            pl.BlockSpec((blk, D), lambda i: (i, 0)),
            pl.BlockSpec((D, D), lambda i: (0, 0)),
            pl.BlockSpec((1, D), lambda i: (0, 0)),
        ],
        out_specs=pl.BlockSpec((blk, D), lambda i: (i, 0)),
        out_shape=jax.ShapeDtypeStruct((N, D), jnp.float32),
    )(x, W_self, b2d)


def _tc_body(y_ref, acc_ref, deg_ref, wn_ref, o_ref):
    deg = deg_ref[0, :, 0:1] + deg_ref[1, :, 0:1]
    inv = 1.0 / jnp.maximum(deg, 1.0)
    mean = jnp.concatenate([acc_ref[0], acc_ref[1]], axis=1) * inv
    o_ref[...] = y_ref[...] + jnp.dot(mean, wn_ref[...],
                                      preferred_element_type=jnp.float32,
                                      precision=lax.Precision.HIGHEST)


def _tc_combine(y, acc, deg, W_neigh):
    blk = 1000
    grid = (N // blk,)
    return pl.pallas_call(
        _tc_body,
        grid=grid,
        in_specs=[
            pl.BlockSpec((blk, D), lambda i: (i, 0)),
            pl.BlockSpec((NC, blk, DH), lambda i: (0, i, 0)),
            pl.BlockSpec((NC, blk, 16), lambda i: (0, i, 0)),
            pl.BlockSpec((D, D), lambda i: (0, 0)),
        ],
        out_specs=pl.BlockSpec((blk, D), lambda i: (i, 0)),
        out_shape=jax.ShapeDtypeStruct((N, D), jnp.float32),
    )(y, acc, deg, W_neigh)


def kernel(x, edge_index, W_self, W_neigh, b):
    ei = edge_index.astype(jnp.int32)
    pad = EPAD - E
    ei = jnp.concatenate(
        [ei, jnp.concatenate([jnp.zeros((1, pad), jnp.int32),
                              jnp.full((1, pad), N, jnp.int32)])], axis=1)
    src3d = ei[0].reshape(NS, CPW, CH)
    dst3d = ei[1].reshape(NS, CPW, CH)
    x0 = x[:, :DH].astype(jnp.bfloat16)
    x1 = x[:, DH:].astype(jnp.bfloat16)
    half = jnp.concatenate([jnp.arange(0, 32, 2), jnp.arange(1, 32, 2),
                            jnp.arange(32, 64, 2), jnp.arange(33, 64, 2)])
    wperm = jnp.concatenate([half, DH + half])
    W_neigh = W_neigh[wperm, :]
    zacc = jnp.zeros((RPT, DH), jnp.float32)
    zdeg = jnp.zeros((RPT, 16), jnp.float32)
    ones = jnp.ones((CH, 16), jnp.float32)
    y = _tc_self(x, W_self, b.reshape(1, D))
    acc, deg = _sc_aggregate(x0, x1, src3d, dst3d, zacc, zdeg, ones)
    return _tc_combine(y, acc, deg, W_neigh)

# --- scband reference (transcript-rebuilt; emitter-appended) ---
"""Pipeline reference for scband-sagemean-aggr-14886356648742 (READ-ONLY COPY).

The authoritative reference and input builder live on the scoring server;
editing this copy changes nothing except your own understanding.
"""

import jax, jax.numpy as jnp
import numpy as np

N_NODES = 10000
N_EDGES = 320000
D_IN = 128
D_OUT = 128


def setup_inputs(seed: int = 0) -> dict:
    key = jax.random.key(seed)
    k1, k2, k3, k4, k5 = jax.random.split(key, 5)
    x = jax.random.normal(k1, (N_NODES, D_IN), dtype=jnp.float32)
    edge_index = jax.random.randint(k2, (2, N_EDGES), 0, N_NODES, dtype=jnp.int64)
    scale = 1.0 / np.sqrt(D_IN)
    W_self = jax.random.normal(k3, (D_IN, D_OUT), dtype=jnp.float32) * scale
    W_neigh = jax.random.normal(k4, (D_IN, D_OUT), dtype=jnp.float32) * scale
    b = jax.random.normal(k5, (D_OUT,), dtype=jnp.float32) * 0.01
    return {"x": x, "edge_index": edge_index, "W_self": W_self, "W_neigh": W_neigh, "b": b}


def reference(x, edge_index, W_self, W_neigh, b):
    # GraphSAGE mean aggregation: for each destination node, average the
    # features of its (sampled) source neighbors, then apply a linear
    # transform combining self features and aggregated neighbor features.
    src = edge_index[0]
    dst = edge_index[1]
    msgs = jnp.take(x, src, axis=0)                                  # gather [E, D_IN]
    agg_sum = jax.ops.segment_sum(msgs, dst, num_segments=N_NODES)   # scatter-add [N, D_IN]
    deg = jax.ops.segment_sum(jnp.ones((msgs.shape[0],), dtype=x.dtype), dst, num_segments=N_NODES)
    agg_mean = agg_sum / jnp.clip(deg, 1.0, None)[:, None]
    out = x @ W_self + agg_mean @ W_neigh + b
    return out

if __name__ == "__main__":
    import jax
    _d = setup_inputs()
    print(jax.jit(kernel)(*tuple(_d.values())))

</pallas_src>

<mosaic_0001>
#map = affine_map<(d0, d1) -> (0, 0)>
#map1 = affine_map<(d0, d1) -> (0, 0, 0)>
module attributes {stable_mosaic.version = 14 : i64} {
  func.func @_sc_body(%arg0: i32, %arg1: i32, %arg2: memref<10000x64xbf16, #tpu.memory_space<hbm>>, %arg3: memref<10000x64xbf16, #tpu.memory_space<hbm>>, %arg4: memref<16x158x128xi32, #tpu.memory_space<hbm>>, %arg5: memref<16x158x128xi32, #tpu.memory_space<hbm>>, %arg6: memref<632x64xf32, #tpu.memory_space<hbm>>, %arg7: memref<632x16xf32, #tpu.memory_space<hbm>>, %arg8: memref<128x16xf32, #tpu.memory_space<hbm>>, %arg9: memref<2x10112x64xf32, #tpu.memory_space<hbm>>, %arg10: memref<2x10112x16xf32, #tpu.memory_space<hbm>>, %arg11: memref<158x128xi32, #tpu.memory_space<vmem>>, %arg12: memref<158x128xi32, #tpu.memory_space<vmem>>, %arg13: memref<128x64xbf16, #tpu.memory_space<vmem>>, %arg14: memref<128x64xbf16, #tpu.memory_space<vmem>>, %arg15: memref<128x64xbf16, #tpu.memory_space<vmem>>, %arg16: memref<128x64xf32, #tpu.memory_space<vmem>>, %arg17: memref<128x16xf32, #tpu.memory_space<vmem>>, %arg18: memref<10112x64xf32, #tpu.memory_space<vmem_shared>>, %arg19: memref<10112x16xf32, #tpu.memory_space<vmem_shared>>, %arg20: memref<!tpu.dma_semaphore, #tpu.memory_space<semaphore_mem>>, %arg21: memref<!tpu.dma_semaphore, #tpu.memory_space<semaphore_mem>>, %arg22: memref<!tpu.dma_semaphore, #tpu.memory_space<semaphore_mem>>) attributes {dimension_semantics = [#tpu.dimension_semantics<core_parallel>, #tpu.dimension_semantics<subcore_parallel>], iteration_bounds = array<i64: 2, 16>, scalar_prefetch = 0 : i64, scratch_operands = 12 : i64, tpu.core_type = #tpu.core_type<sc_vector_subcore>, window_params = [{transform_indices = #map}, {transform_indices = #map}, {transform_indices = #map1}, {transform_indices = #map1}, {transform_indices = #map}, {transform_indices = #map}, {transform_indices = #map}, {transform_indices = #map1}, {transform_indices = #map1}]} {
    %mul3A = arith.constant 632 : i32
    %mul3A_0 = arith.muli %arg1, %mul3A : i32
    "tpu.region"() ({
      %run_scoped3A_66 = tpu.sem_alloc : memref<!tpu.dma_semaphore, #tpu.memory_space<semaphore_mem>>
      %dma_start3A = arith.constant 0 : i32
      %dma_start3A_67 = tpu.memref_slice %arg18[%mul3A_0, %dma_start3A] : memref<10112x64xf32, #tpu.memory_space<vmem_shared>> -> memref<632x64xf32, #tpu.memory_space<vmem_shared>>
      tpu.enqueue_dma source(%arg6 : memref<632x64xf32, #tpu.memory_space<hbm>>) target(%dma_start3A_67 : memref<632x64xf32, #tpu.memory_space<vmem_shared>>) target_semaphore(%run_scoped3A_66 : memref<!tpu.dma_semaphore, #tpu.memory_space<semaphore_mem>>)
      %dma_wait3A_68 = arith.constant 0 : i32
      %dma_wait3A_69 = tpu.memref_slice %arg18[%mul3A_0, %dma_wait3A_68] : memref<10112x64xf32, #tpu.memory_space<vmem_shared>> -> memref<632x64xf32, #tpu.memory_space<vmem_shared>>
      tpu.wait_dma2 semaphore(%run_scoped3A_66 : memref<!tpu.dma_semaphore, #tpu.memory_space<semaphore_mem>>) src(%arg6 : memref<632x64xf32, #tpu.memory_space<hbm>>) dst(%dma_wait3A_69 : memref<632x64xf32, #tpu.memory_space<vmem_shared>>)
      tpu.yield
    }) : () -> ()
    %mul3A_1 = arith.constant 632 : i32
    %mul3A_2 = arith.muli %arg1, %mul3A_1 : i32
    "tpu.region"() ({
      %run_scoped3A_66 = tpu.sem_alloc : memref<!tpu.dma_semaphore, #tpu.memory_space<semaphore_mem>>
      %dma_start3A = arith.constant 0 : i32
      %dma_start3A_67 = tpu.memref_slice %arg19[%mul3A_2, %dma_start3A] : memref<10112x16xf32, #tpu.memory_space<vmem_shared>> -> memref<632x16xf32, #tpu.memory_space<vmem_shared>>
      tpu.enqueue_dma source(%arg7 : memref<632x16xf32, #tpu.memory_space<hbm>>) target(%dma_start3A_67 : memref<632x16xf32, #tpu.memory_space<vmem_shared>>) target_semaphore(%run_scoped3A_66 : memref<!tpu.dma_semaphore, #tpu.memory_space<semaphore_mem>>)
      %dma_wait3A_68 = arith.constant 0 : i32
      %dma_wait3A_69 = tpu.memref_slice %arg19[%mul3A_2, %dma_wait3A_68] : memref<10112x16xf32, #tpu.memory_space<vmem_shared>> -> memref<632x16xf32, #tpu.memory_space<vmem_shared>>
      tpu.wait_dma2 semaphore(%run_scoped3A_66 : memref<!tpu.dma_semaphore, #tpu.memory_space<semaphore_mem>>) src(%arg7 : memref<632x16xf32, #tpu.memory_space<hbm>>) dst(%dma_wait3A_69 : memref<632x16xf32, #tpu.memory_space<vmem_shared>>)
      tpu.yield
    }) : () -> ()
    "tpu.region"() ({
      %run_scoped3A_66 = tpu.sem_alloc : memref<!tpu.dma_semaphore, #tpu.memory_space<semaphore_mem>>
      %dma_start3A = arith.constant 0 : i32
      %dma_start3A_67 = arith.constant 0 : i32
      %dma_start3A_68 = tpu.memref_slice %arg4[%arg1, %dma_start3A, %dma_start3A_67] : memref<16x158x128xi32, #tpu.memory_space<hbm>> -> memref<1x158x128xi32, #tpu.memory_space<hbm>>
      %dma_start3A_69 = tpu.memref_squeeze %dma_start3A_68 : memref<1x158x128xi32, #tpu.memory_space<hbm>> -> memref<158x128xi32, #tpu.memory_space<hbm>>
      %dma_start3A_70 = arith.constant 0 : i32
      %dma_start3A_71 = arith.constant 0 : i32
      %dma_start3A_72 = tpu.memref_slice %arg4[%arg1, %dma_start3A_70, %dma_start3A_71] : memref<16x158x128xi32, #tpu.memory_space<hbm>> -> memref<1x158x128xi32, #tpu.memory_space<hbm>>
      %dma_start3A_73 = tpu.memref_squeeze %dma_start3A_72 : memref<1x158x128xi32, #tpu.memory_space<hbm>> -> memref<158x128xi32, #tpu.memory_space<hbm>>
      tpu.enqueue_dma source(%dma_start3A_73 : memref<158x128xi32, #tpu.memory_space<hbm>>) target(%arg11 : memref<158x128xi32, #tpu.memory_space<vmem>>) target_semaphore(%run_scoped3A_66 : memref<!tpu.dma_semaphore, #tpu.memory_space<semaphore_mem>>)
      %dma_wait3A_74 = arith.constant 0 : i32
      %dma_wait3A_75 = arith.constant 0 : i32
      %dma_wait3A_76 = tpu.memref_slice %arg4[%arg1, %dma_wait3A_74, %dma_wait3A_75] : memref<16x158x128xi32, #tpu.memory_space<hbm>> -> memref<1x158x128xi32, #tpu.memory_space<hbm>>
      %dma_wait3A_77 = tpu.memref_squeeze %dma_wait3A_76 : memref<1x158x128xi32, #tpu.memory_space<hbm>> -> memref<158x128xi32, #tpu.memory_space<hbm>>
      %dma_wait3A_78 = arith.constant 0 : i32
      %dma_wait3A_79 = arith.constant 0 : i32
      %dma_wait3A_80 = tpu.memref_slice %arg4[%arg1, %dma_wait3A_78, %dma_wait3A_79] : memref<16x158x128xi32, #tpu.memory_space<hbm>> -> memref<1x158x128xi32, #tpu.memory_space<hbm>>
      %dma_wait3A_81 = tpu.memref_squeeze %dma_wait3A_80 : memref<1x158x128xi32, #tpu.memory_space<hbm>> -> memref<158x128xi32, #tpu.memory_space<hbm>>
      tpu.wait_dma2 semaphore(%run_scoped3A_66 : memref<!tpu.dma_semaphore, #tpu.memory_space<semaphore_mem>>) src(%dma_wait3A_81 : memref<158x128xi32, #tpu.memory_space<hbm>>) dst(%arg11 : memref<158x128xi32, #tpu.memory_space<vmem>>)
      tpu.yield
    }) : () -> ()
    "tpu.region"() ({
      %run_scoped3A_66 = tpu.sem_alloc : memref<!tpu.dma_semaphore, #tpu.memory_space<semaphore_mem>>
      %dma_start3A = arith.constant 0 : i32
      %dma_start3A_67 = arith.constant 0 : i32
      %dma_start3A_68 = tpu.memref_slice %arg5[%arg1, %dma_start3A, %dma_start3A_67] : memref<16x158x128xi32, #tpu.memory_space<hbm>> -> memref<1x158x128xi32, #tpu.memory_space<hbm>>
      %dma_start3A_69 = tpu.memref_squeeze %dma_start3A_68 : memref<1x158x128xi32, #tpu.memory_space<hbm>> -> memref<158x128xi32, #tpu.memory_space<hbm>>
      %dma_start3A_70 = arith.constant 0 : i32
      %dma_start3A_71 = arith.constant 0 : i32
      %dma_start3A_72 = tpu.memref_slice %arg5[%arg1, %dma_start3A_70, %dma_start3A_71] : memref<16x158x128xi32, #tpu.memory_space<hbm>> -> memref<1x158x128xi32, #tpu.memory_space<hbm>>
      %dma_start3A_73 = tpu.memref_squeeze %dma_start3A_72 : memref<1x158x128xi32, #tpu.memory_space<hbm>> -> memref<158x128xi32, #tpu.memory_space<hbm>>
      tpu.enqueue_dma source(%dma_start3A_73 : memref<158x128xi32, #tpu.memory_space<hbm>>) target(%arg12 : memref<158x128xi32, #tpu.memory_space<vmem>>) target_semaphore(%run_scoped3A_66 : memref<!tpu.dma_semaphore, #tpu.memory_space<semaphore_mem>>)
      %dma_wait3A_74 = arith.constant 0 : i32
      %dma_wait3A_75 = arith.constant 0 : i32
      %dma_wait3A_76 = tpu.memref_slice %arg5[%arg1, %dma_wait3A_74, %dma_wait3A_75] : memref<16x158x128xi32, #tpu.memory_space<hbm>> -> memref<1x158x128xi32, #tpu.memory_space<hbm>>
      %dma_wait3A_77 = tpu.memref_squeeze %dma_wait3A_76 : memref<1x158x128xi32, #tpu.memory_space<hbm>> -> memref<158x128xi32, #tpu.memory_space<hbm>>
      %dma_wait3A_78 = arith.constant 0 : i32
      %dma_wait3A_79 = arith.constant 0 : i32
      %dma_wait3A_80 = tpu.memref_slice %arg5[%arg1, %dma_wait3A_78, %dma_wait3A_79] : memref<16x158x128xi32, #tpu.memory_space<hbm>> -> memref<1x158x128xi32, #tpu.memory_space<hbm>>
      %dma_wait3A_81 = tpu.memref_squeeze %dma_wait3A_80 : memref<1x158x128xi32, #tpu.memory_space<hbm>> -> memref<158x128xi32, #tpu.memory_space<hbm>>
      tpu.wait_dma2 semaphore(%run_scoped3A_66 : memref<!tpu.dma_semaphore, #tpu.memory_space<semaphore_mem>>) src(%dma_wait3A_81 : memref<158x128xi32, #tpu.memory_space<hbm>>) dst(%arg12 : memref<158x128xi32, #tpu.memory_space<vmem>>)
      tpu.yield
    }) : () -> ()
    "tpu.region"() ({
      %run_scoped3A_66 = tpu.sem_alloc : memref<!tpu.dma_semaphore, #tpu.memory_space<semaphore_mem>>
      tpu.enqueue_dma source(%arg8 : memref<128x16xf32, #tpu.memory_space<hbm>>) target(%arg17 : memref<128x16xf32, #tpu.memory_space<vmem>>) target_semaphore(%run_scoped3A_66 : memref<!tpu.dma_semaphore, #tpu.memory_space<semaphore_mem>>)
      tpu.wait_dma2 semaphore(%run_scoped3A_66 : memref<!tpu.dma_semaphore, #tpu.memory_space<semaphore_mem>>) src(%arg8 : memref<128x16xf32, #tpu.memory_space<hbm>>) dst(%arg17 : memref<128x16xf32, #tpu.memory_space<vmem>>)
      tpu.yield
    }) : () -> ()
    %eq3A = arith.constant 0 : i32
    %eq3A_3 = arith.cmpi eq, %arg0, %eq3A : i32
    %convert_element_type3A = arith.extui %eq3A_3 : i1 to i32
    %cond3A = arith.constant 0 : i32
    %cond3A_4 = arith.cmpi ne, %convert_element_type3A, %cond3A : i32
    scf.if %cond3A_4 {
      %dma_start3A = arith.constant 0 : i32
      %dma_start3A_66 = arith.constant 0 : i32
      %dma_start3A_67 = tpu.memref_slice %arg11[%dma_start3A, %dma_start3A_66] : memref<158x128xi32, #tpu.memory_space<vmem>> -> memref<1x128xi32, #tpu.memory_space<vmem>>
      %dma_start3A_68 = tpu.memref_squeeze %dma_start3A_67 : memref<1x128xi32, #tpu.memory_space<vmem>> -> memref<128xi32, #tpu.memory_space<vmem>>
      %dma_start3A_69 = arith.constant 0 : i32
      %dma_start3A_70 = arith.constant 0 : i32
      %dma_start3A_71 = tpu.memref_slice %arg2[%dma_start3A_69, %dma_start3A_70] : memref<10000x64xbf16, #tpu.memory_space<hbm>> -> memref<10000x64xbf16, #tpu.memory_space<hbm>>
      tpu.enqueue_indirect_dma source(%dma_start3A_71 : memref<10000x64xbf16, #tpu.memory_space<hbm>>) target(%arg13 : memref<128x64xbf16, #tpu.memory_space<vmem>>) offsets(%dma_start3A_68 : memref<128xi32, #tpu.memory_space<vmem>>) semaphore(%arg20 : memref<!tpu.dma_semaphore, #tpu.memory_space<semaphore_mem>>)
    } else {
    }
    %eq3A_5 = arith.constant 1 : i32
    %eq3A_6 = arith.cmpi eq, %arg0, %eq3A_5 : i32
    %convert_element_type3A_7 = arith.extui %eq3A_6 : i1 to i32
    %cond3A_8 = arith.constant 0 : i32
    %cond3A_9 = arith.cmpi ne, %convert_element_type3A_7, %cond3A_8 : i32
    scf.if %cond3A_9 {
      %dma_start3A = arith.constant 0 : i32
      %dma_start3A_66 = arith.constant 0 : i32
      %dma_start3A_67 = tpu.memref_slice %arg11[%dma_start3A, %dma_start3A_66] : memref<158x128xi32, #tpu.memory_space<vmem>> -> memref<1x128xi32, #tpu.memory_space<vmem>>
      %dma_start3A_68 = tpu.memref_squeeze %dma_start3A_67 : memref<1x128xi32, #tpu.memory_space<vmem>> -> memref<128xi32, #tpu.memory_space<vmem>>
      %dma_start3A_69 = arith.constant 0 : i32
      %dma_start3A_70 = arith.constant 0 : i32
      %dma_start3A_71 = tpu.memref_slice %arg3[%dma_start3A_69, %dma_start3A_70] : memref<10000x64xbf16, #tpu.memory_space<hbm>> -> memref<10000x64xbf16, #tpu.memory_space<hbm>>
      tpu.enqueue_indirect_dma source(%dma_start3A_71 : memref<10000x64xbf16, #tpu.memory_space<hbm>>) target(%arg13 : memref<128x64xbf16, #tpu.memory_space<vmem>>) offsets(%dma_start3A_68 : memref<128xi32, #tpu.memory_space<vmem>>) semaphore(%arg20 : memref<!tpu.dma_semaphore, #tpu.memory_space<semaphore_mem>>)
    } else {
    }
    %eq3A_10 = arith.constant 0 : i32
    %eq3A_11 = arith.cmpi eq, %arg0, %eq3A_10 : i32
    %convert_element_type3A_12 = arith.extui %eq3A_11 : i1 to i32
    %cond3A_13 = arith.constant 0 : i32
    %cond3A_14 = arith.cmpi ne, %convert_element_type3A_12, %cond3A_13 : i32
    scf.if %cond3A_14 {
      %dma_start3A = arith.constant 1 : i32
      %dma_start3A_66 = arith.constant 0 : i32
      %dma_start3A_67 = tpu.memref_slice %arg11[%dma_start3A, %dma_start3A_66] : memref<158x128xi32, #tpu.memory_space<vmem>> -> memref<1x128xi32, #tpu.memory_space<vmem>>
      %dma_start3A_68 = tpu.memref_squeeze %dma_start3A_67 : memref<1x128xi32, #tpu.memory_space<vmem>> -> memref<128xi32, #tpu.memory_space<vmem>>
      %dma_start3A_69 = arith.constant 0 : i32
      %dma_start3A_70 = arith.constant 0 : i32
      %dma_start3A_71 = tpu.memref_slice %arg2[%dma_start3A_69, %dma_start3A_70] : memref<10000x64xbf16, #tpu.memory_space<hbm>> -> memref<10000x64xbf16, #tpu.memory_space<hbm>>
      tpu.enqueue_indirect_dma source(%dma_start3A_71 : memref<10000x64xbf16, #tpu.memory_space<hbm>>) target(%arg14 : memref<128x64xbf16, #tpu.memory_space<vmem>>) offsets(%dma_start3A_68 : memref<128xi32, #tpu.memory_space<vmem>>) semaphore(%arg21 : memref<!tpu.dma_semaphore, #tpu.memory_space<semaphore_mem>>)
    } else {
    }
    %eq3A_15 = arith.constant 1 : i32
    %eq3A_16 = arith.cmpi eq, %arg0, %eq3A_15 : i32
    %convert_element_type3A_17 = arith.extui %eq3A_16 : i1 to i32
    %cond3A_18 = arith.constant 0 : i32
    %cond3A_19 = arith.cmpi ne, %convert_element_type3A_17, %cond3A_18 : i32
    scf.if %cond3A_19 {
      %dma_start3A = arith.constant 1 : i32
      %dma_start3A_66 = arith.constant 0 : i32
      %dma_start3A_67 = tpu.memref_slice %arg11[%dma_start3A, %dma_start3A_66] : memref<158x128xi32, #tpu.memory_space<vmem>> -> memref<1x128xi32, #tpu.memory_space<vmem>>
      %dma_start3A_68 = tpu.memref_squeeze %dma_start3A_67 : memref<1x128xi32, #tpu.memory_space<vmem>> -> memref<128xi32, #tpu.memory_space<vmem>>
      %dma_start3A_69 = arith.constant 0 : i32
      %dma_start3A_70 = arith.constant 0 : i32
      %dma_start3A_71 = tpu.memref_slice %arg3[%dma_start3A_69, %dma_start3A_70] : memref<10000x64xbf16, #tpu.memory_space<hbm>> -> memref<10000x64xbf16, #tpu.memory_space<hbm>>
      tpu.enqueue_indirect_dma source(%dma_start3A_71 : memref<10000x64xbf16, #tpu.memory_space<hbm>>) target(%arg14 : memref<128x64xbf16, #tpu.memory_space<vmem>>) offsets(%dma_start3A_68 : memref<128xi32, #tpu.memory_space<vmem>>) semaphore(%arg21 : memref<!tpu.dma_semaphore, #tpu.memory_space<semaphore_mem>>)
    } else {
    }
    %barrier3A = arith.constant 0 : index
    tpu.barrier barrier_id(%barrier3A)
    %scan3A = arith.constant 0 : i32
    %scan3A_20 = arith.constant 0 : i32
    %scan3A_21 = arith.constant 52 : i32
    %scan3A_22 = arith.addi %scan3A_20, %scan3A_21 : i32
    %scan3A_23 = arith.constant 1 : i32
    scf.for %scan3A_66 = %scan3A_20 to %scan3A_22 step %scan3A_23  : i32 {
      %mul3A_67 = arith.constant 3 : i32
      %mul3A_68 = arith.muli %scan3A_66, %mul3A_67 : i32
      %add3A = arith.constant 2 : i32
      %add3A_69 = arith.addi %mul3A_68, %add3A : i32
      %eq3A_70 = arith.constant 0 : i32
      %eq3A_71 = arith.cmpi eq, %arg0, %eq3A_70 : i32
      %convert_element_type3A_72 = arith.extui %eq3A_71 : i1 to i32
      %cond3A_73 = arith.constant 0 : i32
      %cond3A_74 = arith.cmpi ne, %convert_element_type3A_72, %cond3A_73 : i32
      scf.if %cond3A_74 {
        %dma_start3A = arith.constant 0 : i32
        %dma_start3A_155 = tpu.memref_slice %arg11[%add3A_69, %dma_start3A] : memref<158x128xi32, #tpu.memory_space<vmem>> -> memref<1x128xi32, #tpu.memory_space<vmem>>
        %dma_start3A_156 = tpu.memref_squeeze %dma_start3A_155 : memref<1x128xi32, #tpu.memory_space<vmem>> -> memref<128xi32, #tpu.memory_space<vmem>>
        %dma_start3A_157 = arith.constant 0 : i32
        %dma_start3A_158 = arith.constant 0 : i32
        %dma_start3A_159 = tpu.memref_slice %arg2[%dma_start3A_157, %dma_start3A_158] : memref<10000x64xbf16, #tpu.memory_space<hbm>> -> memref<10000x64xbf16, #tpu.memory_space<hbm>>
        tpu.enqueue_indirect_dma source(%dma_start3A_159 : memref<10000x64xbf16, #tpu.memory_space<hbm>>) target(%arg15 : memref<128x64xbf16, #tpu.memory_space<vmem>>) offsets(%dma_start3A_156 : memref<128xi32, #tpu.memory_space<vmem>>) semaphore(%arg22 : memref<!tpu.dma_semaphore, #tpu.memory_space<semaphore_mem>>)
      } else {
      }
      %eq3A_75 = arith.constant 1 : i32
      %eq3A_76 = arith.cmpi eq, %arg0, %eq3A_75 : i32
      %convert_element_type3A_77 = arith.extui %eq3A_76 : i1 to i32
      %cond3A_78 = arith.constant 0 : i32
      %cond3A_79 = arith.cmpi ne, %convert_element_type3A_77, %cond3A_78 : i32
      scf.if %cond3A_79 {
        %dma_start3A = arith.constant 0 : i32
        %dma_start3A_155 = tpu.memref_slice %arg11[%add3A_69, %dma_start3A] : memref<158x128xi32, #tpu.memory_space<vmem>> -> memref<1x128xi32, #tpu.memory_space<vmem>>
        %dma_start3A_156 = tpu.memref_squeeze %dma_start3A_155 : memref<1x128xi32, #tpu.memory_space<vmem>> -> memref<128xi32, #tpu.memory_space<vmem>>
        %dma_start3A_157 = arith.constant 0 : i32
        %dma_start3A_158 = arith.constant 0 : i32
        %dma_start3A_159 = tpu.memref_slice %arg3[%dma_start3A_157, %dma_start3A_158] : memref<10000x64xbf16, #tpu.memory_space<hbm>> -> memref<10000x64xbf16, #tpu.memory_space<hbm>>
        tpu.enqueue_indirect_dma source(%dma_start3A_159 : memref<10000x64xbf16, #tpu.memory_space<hbm>>) target(%arg15 : memref<128x64xbf16, #tpu.memory_space<vmem>>) offsets(%dma_start3A_156 : memref<128xi32, #tpu.memory_space<vmem>>) semaphore(%arg22 : memref<!tpu.dma_semaphore, #tpu.memory_space<semaphore_mem>>)
      } else {
      }
      %rem3A_80 = arith.constant 2 : i32
      %rem3A_81 = arith.remsi %mul3A_68, %rem3A_80 : i32
      %eq3A_82 = arith.cmpi eq, %rem3A_81, %arg0 : i32
      %convert_element_type3A_83 = arith.extui %eq3A_82 : i1 to i32
      %cond3A_84 = arith.constant 0 : i32
      %cond3A_85 = arith.cmpi ne, %convert_element_type3A_83, %cond3A_84 : i32
      scf.if %cond3A_85 {
        "tpu.region"() ({
          %run_scoped3A_155 = tpu.sem_alloc : memref<!tpu.dma_semaphore, #tpu.memory_space<semaphore_mem>>
          %dma_start3A = arith.constant 0 : i32
          %dma_start3A_156 = tpu.memref_slice %arg12[%mul3A_68, %dma_start3A] : memref<158x128xi32, #tpu.memory_space<vmem>> -> memref<1x128xi32, #tpu.memory_space<vmem>>
          %dma_start3A_157 = tpu.memref_squeeze %dma_start3A_156 : memref<1x128xi32, #tpu.memory_space<vmem>> -> memref<128xi32, #tpu.memory_space<vmem>>
          %dma_start3A_158 = arith.constant 0 : i32
          %dma_start3A_159 = arith.constant 0 : i32
          %dma_start3A_160 = tpu.memref_slice %arg19[%dma_start3A_158, %dma_start3A_159] : memref<10112x16xf32, #tpu.memory_space<vmem_shared>> -> memref<10112x16xf32, #tpu.memory_space<vmem_shared>>
          tpu.enqueue_indirect_dma source(%arg17 : memref<128x16xf32, #tpu.memory_space<vmem>>) target(%dma_start3A_160 : memref<10112x16xf32, #tpu.memory_space<vmem_shared>>) offsets(%dma_start3A_157 : memref<128xi32, #tpu.memory_space<vmem>>) semaphore(%run_scoped3A_155 : memref<!tpu.dma_semaphore, #tpu.memory_space<semaphore_mem>>) {add = true}
          %dma_wait3A_161 = arith.constant 0 : i32
          %dma_wait3A_162 = tpu.memref_slice %arg12[%mul3A_68, %dma_wait3A_161] : memref<158x128xi32, #tpu.memory_space<vmem>> -> memref<1x128xi32, #tpu.memory_space<vmem>>
          %dma_wait3A_163 = tpu.memref_squeeze %dma_wait3A_162 : memref<1x128xi32, #tpu.memory_space<vmem>> -> memref<128xi32, #tpu.memory_space<vmem>>
          %dma_wait3A_164 = arith.constant 0 : i32
          %dma_wait3A_165 = arith.constant 0 : i32
          %dma_wait3A_166 = tpu.memref_slice %arg19[%dma_wait3A_164, %dma_wait3A_165] : memref<10112x16xf32, #tpu.memory_space<vmem_shared>> -> memref<10112x16xf32, #tpu.memory_space<vmem_shared>>
          tpu.wait_indirect_dma semaphore(%run_scoped3A_155 : memref<!tpu.dma_semaphore, #tpu.memory_space<semaphore_mem>>) src(%arg17 : memref<128x16xf32, #tpu.memory_space<vmem>>) dst(%dma_wait3A_166 : memref<10112x16xf32, #tpu.memory_space<vmem_shared>>)
          tpu.yield
        }) : () -> ()
      } else {
      }
      %dma_wait3A_86 = arith.constant 0 : i32
      %dma_wait3A_87 = tpu.memref_slice %arg11[%mul3A_68, %dma_wait3A_86] : memref<158x128xi32, #tpu.memory_space<vmem>> -> memref<1x128xi32, #tpu.memory_space<vmem>>
      %dma_wait3A_88 = tpu.memref_squeeze %dma_wait3A_87 : memref<1x128xi32, #tpu.memory_space<vmem>> -> memref<128xi32, #tpu.memory_space<vmem>>
      %dma_wait3A_89 = arith.constant 0 : i32
      %dma_wait3A_90 = arith.constant 0 : i32
      %dma_wait3A_91 = tpu.memref_slice %arg2[%dma_wait3A_89, %dma_wait3A_90] : memref<10000x64xbf16, #tpu.memory_space<hbm>> -> memref<10000x64xbf16, #tpu.memory_space<hbm>>
      tpu.wait_indirect_dma semaphore(%arg20 : memref<!tpu.dma_semaphore, #tpu.memory_space<semaphore_mem>>) src(%dma_wait3A_91 : memref<10000x64xbf16, #tpu.memory_space<hbm>>) dst(%arg13 : memref<128x64xbf16, #tpu.memory_space<vmem>>)
      %parallel_loop3A_92 = arith.constant 0 : i32
      %parallel_loop3A_93 = arith.constant 128 : i32
      %parallel_loop3A_94 = arith.constant 1 : i32
      scf.for %parallel_loop3A_155 = %parallel_loop3A_92 to %parallel_loop3A_93 step %parallel_loop3A_94  : i32 {
        %parallel_loop3A_156 = arith.index_cast %parallel_loop3A_155 : i32 to index
        %parallel_loop3A_157 = arith.constant 0 : index
        %parallel_loop3A_158 = tpu.vector_load %arg13[%parallel_loop3A_156, %parallel_loop3A_157] {strides = array<i32>} : memref<128x64xbf16, #tpu.memory_space<vmem>>, vector<32xbf16>,
        %parallel_loop3A_159 = vector.bitcast %parallel_loop3A_158 : vector<32xbf16> to vector<16xi32>
        %parallel_loop3A_160 = arith.index_cast %parallel_loop3A_155 : i32 to index
        %parallel_loop3A_161 = arith.constant 32 : index
        %parallel_loop3A_162 = tpu.vector_load %arg13[%parallel_loop3A_160, %parallel_loop3A_161] {strides = array<i32>} : memref<128x64xbf16, #tpu.memory_space<vmem>>, vector<32xbf16>,
        %parallel_loop3A_163 = vector.bitcast %parallel_loop3A_162 : vector<32xbf16> to vector<16xi32>
        %parallel_loop3A_164 = arith.constant 16 : i32
        %parallel_loop3A_165 = vector.broadcast %parallel_loop3A_164 : i32 to vector<16xi32>
        %parallel_loop3A_166 = arith.shli %parallel_loop3A_159, %parallel_loop3A_165 : vector<16xi32>
        %parallel_loop3A_167 = vector.bitcast %parallel_loop3A_166 : vector<16xi32> to vector<16xf32>
        %parallel_loop3A_168 = arith.index_cast %parallel_loop3A_155 : i32 to index
        %parallel_loop3A_169 = arith.constant 0 : index
        %parallel_loop3A_170 = tpu.vector_load %arg16[%parallel_loop3A_168, %parallel_loop3A_169] {strides = array<i32>} : memref<128x64xf32, #tpu.memory_space<vmem>>, vector<16xf32>,
        tpu.vector_store %arg16[%parallel_loop3A_168, %parallel_loop3A_169], %parallel_loop3A_167 {strides = array<i32>} : memref<128x64xf32, #tpu.memory_space<vmem>>, vector<16xf32>,
        %parallel_loop3A_171 = arith.constant -65536 : i32
        %parallel_loop3A_172 = vector.broadcast %parallel_loop3A_171 : i32 to vector<16xi32>
        %parallel_loop3A_173 = arith.andi %parallel_loop3A_159, %parallel_loop3A_172 : vector<16xi32>
        %parallel_loop3A_174 = vector.bitcast %parallel_loop3A_173 : vector<16xi32> to vector<16xf32>
        %parallel_loop3A_175 = arith.index_cast %parallel_loop3A_155 : i32 to index
        %parallel_loop3A_176 = arith.constant 16 : index
        %parallel_loop3A_177 = tpu.vector_load %arg16[%parallel_loop3A_175, %parallel_loop3A_176] {strides = array<i32>} : memref<128x64xf32, #tpu.memory_space<vmem>>, vector<16xf32>,
        tpu.vector_store %arg16[%parallel_loop3A_175, %parallel_loop3A_176], %parallel_loop3A_174 {strides = array<i32>} : memref<128x64xf32, #tpu.memory_space<vmem>>, vector<16xf32>,
        %parallel_loop3A_178 = arith.constant 16 : i32
        %parallel_loop3A_179 = vector.broadcast %parallel_loop3A_178 : i32 to vector<16xi32>
        %parallel_loop3A_180 = arith.shli %parallel_loop3A_163, %parallel_loop3A_179 : vector<16xi32>
        %parallel_loop3A_181 = vector.bitcast %parallel_loop3A_180 : vector<16xi32> to vector<16xf32>
        %parallel_loop3A_182 = arith.index_cast %parallel_loop3A_155 : i32 to index
        %parallel_loop3A_183 = arith.constant 32 : index
        %parallel_loop3A_184 = tpu.vector_load %arg16[%parallel_loop3A_182, %parallel_loop3A_183] {strides = array<i32>} : memref<128x64xf32, #tpu.memory_space<vmem>>, vector<16xf32>,
        tpu.vector_store %arg16[%parallel_loop3A_182, %parallel_loop3A_183], %parallel_loop3A_181 {strides = array<i32>} : memref<128x64xf32, #tpu.memory_space<vmem>>, vector<16xf32>,
        %parallel_loop3A_185 = arith.constant -65536 : i32
        %parallel_loop3A_186 = vector.broadcast %parallel_loop3A_185 : i32 to vector<16xi32>
        %parallel_loop3A_187 = arith.andi %parallel_loop3A_163, %parallel_loop3A_186 : vector<16xi32>
        %parallel_loop3A_188 = vector.bitcast %parallel_loop3A_187 : vector<16xi32> to vector<16xf32>
        %parallel_loop3A_189 = arith.index_cast %parallel_loop3A_155 : i32 to index
        %parallel_loop3A_190 = arith.constant 48 : index
        %parallel_loop3A_191 = tpu.vector_load %arg16[%parallel_loop3A_189, %parallel_loop3A_190] {strides = array<i32>} : memref<128x64xf32, #tpu.memory_space<vmem>>, vector<16xf32>,
        tpu.vector_store %arg16[%parallel_loop3A_189, %parallel_loop3A_190], %parallel_loop3A_188 {strides = array<i32>} : memref<128x64xf32, #tpu.memory_space<vmem>>, vector<16xf32>,
      } {sc.loop_unroll_factor = 8 : i64, sc.parallel_access}
      "tpu.region"() ({
        %run_scoped3A_155 = tpu.sem_alloc : memref<!tpu.dma_semaphore, #tpu.memory_space<semaphore_mem>>
        %dma_start3A = arith.constant 0 : i32
        %dma_start3A_156 = tpu.memref_slice %arg12[%mul3A_68, %dma_start3A] : memref<158x128xi32, #tpu.memory_space<vmem>> -> memref<1x128xi32, #tpu.memory_space<vmem>>
        %dma_start3A_157 = tpu.memref_squeeze %dma_start3A_156 : memref<1x128xi32, #tpu.memory_space<vmem>> -> memref<128xi32, #tpu.memory_space<vmem>>
        %dma_start3A_158 = arith.constant 0 : i32
        %dma_start3A_159 = arith.constant 0 : i32
        %dma_start3A_160 = tpu.memref_slice %arg18[%dma_start3A_158, %dma_start3A_159] : memref<10112x64xf32, #tpu.memory_space<vmem_shared>> -> memref<10112x64xf32, #tpu.memory_space<vmem_shared>>
        tpu.enqueue_indirect_dma source(%arg16 : memref<128x64xf32, #tpu.memory_space<vmem>>) target(%dma_start3A_160 : memref<10112x64xf32, #tpu.memory_space<vmem_shared>>) offsets(%dma_start3A_157 : memref<128xi32, #tpu.memory_space<vmem>>) semaphore(%run_scoped3A_155 : memref<!tpu.dma_semaphore, #tpu.memory_space<semaphore_mem>>) {add = true}
        %dma_wait3A_161 = arith.constant 0 : i32
        %dma_wait3A_162 = tpu.memref_slice %arg12[%mul3A_68, %dma_wait3A_161] : memref<158x128xi32, #tpu.memory_space<vmem>> -> memref<1x128xi32, #tpu.memory_space<vmem>>
        %dma_wait3A_163 = tpu.memref_squeeze %dma_wait3A_162 : memref<1x128xi32, #tpu.memory_space<vmem>> -> memref<128xi32, #tpu.memory_space<vmem>>
        %dma_wait3A_164 = arith.constant 0 : i32
        %dma_wait3A_165 = arith.constant 0 : i32
        %dma_wait3A_166 = tpu.memref_slice %arg18[%dma_wait3A_164, %dma_wait3A_165] : memref<10112x64xf32, #tpu.memory_space<vmem_shared>> -> memref<10112x64xf32, #tpu.memory_space<vmem_shared>>
        tpu.wait_indirect_dma semaphore(%run_scoped3A_155 : memref<!tpu.dma_semaphore, #tpu.memory_space<semaphore_mem>>) src(%arg16 : memref<128x64xf32, #tpu.memory_space<vmem>>) dst(%dma_wait3A_166 : memref<10112x64xf32, #tpu.memory_space<vmem_shared>>)
        tpu.yield
      }) : () -> ()
      %add3A_95 = arith.constant 3 : i32
      %add3A_96 = arith.addi %mul3A_68, %add3A_95 : i32
      %eq3A_97 = arith.constant 0 : i32
      %eq3A_98 = arith.cmpi eq, %arg0, %eq3A_97 : i32
      %convert_element_type3A_99 = arith.extui %eq3A_98 : i1 to i32
      %cond3A_100 = arith.constant 0 : i32
      %cond3A_101 = arith.cmpi ne, %convert_element_type3A_99, %cond3A_100 : i32
      scf.if %cond3A_101 {
        %dma_start3A = arith.constant 0 : i32
        %dma_start3A_155 = tpu.memref_slice %arg11[%add3A_96, %dma_start3A] : memref<158x128xi32, #tpu.memory_space<vmem>> -> memref<1x128xi32, #tpu.memory_space<vmem>>
        %dma_start3A_156 = tpu.memref_squeeze %dma_start3A_155 : memref<1x128xi32, #tpu.memory_space<vmem>> -> memref<128xi32, #tpu.memory_space<vmem>>
        %dma_start3A_157 = arith.constant 0 : i32
        %dma_start3A_158 = arith.constant 0 : i32
        %dma_start3A_159 = tpu.memref_slice %arg2[%dma_start3A_157, %dma_start3A_158] : memref<10000x64xbf16, #tpu.memory_space<hbm>> -> memref<10000x64xbf16, #tpu.memory_space<hbm>>
        tpu.enqueue_indirect_dma source(%dma_start3A_159 : memref<10000x64xbf16, #tpu.memory_space<hbm>>) target(%arg13 : memref<128x64xbf16, #tpu.memory_space<vmem>>) offsets(%dma_start3A_156 : memref<128xi32, #tpu.memory_space<vmem>>) semaphore(%arg20 : memref<!tpu.dma_semaphore, #tpu.memory_space<semaphore_mem>>)
      } else {
      }
      %eq3A_102 = arith.constant 1 : i32
      %eq3A_103 = arith.cmpi eq, %arg0, %eq3A_102 : i32
      %convert_element_type3A_104 = arith.extui %eq3A_103 : i1 to i32
      %cond3A_105 = arith.constant 0 : i32
      %cond3A_106 = arith.cmpi ne, %convert_element_type3A_104, %cond3A_105 : i32
      scf.if %cond3A_106 {
        %dma_start3A = arith.constant 0 : i32
        %dma_start3A_155 = tpu.memref_slice %arg11[%add3A_96, %dma_start3A] : memref<158x128xi32, #tpu.memory_space<vmem>> -> memref<1x128xi32, #tpu.memory_space<vmem>>
        %dma_start3A_156 = tpu.memref_squeeze %dma_start3A_155 : memref<1x128xi32, #tpu.memory_space<vmem>> -> memref<128xi32, #tpu.memory_space<vmem>>
        %dma_start3A_157 = arith.constant 0 : i32
        %dma_start3A_158 = arith.constant 0 : i32
        %dma_start3A_159 = tpu.memref_slice %arg3[%dma_start3A_157, %dma_start3A_158] : memref<10000x64xbf16, #tpu.memory_space<hbm>> -> memref<10000x64xbf16, #tpu.memory_space<hbm>>
        tpu.enqueue_indirect_dma source(%dma_start3A_159 : memref<10000x64xbf16, #tpu.memory_space<hbm>>) target(%arg13 : memref<128x64xbf16, #tpu.memory_space<vmem>>) offsets(%dma_start3A_156 : memref<128xi32, #tpu.memory_space<vmem>>) semaphore(%arg20 : memref<!tpu.dma_semaphore, #tpu.memory_space<semaphore_mem>>)
      } else {
      }
      %add3A_107 = arith.constant 1 : i32
      %add3A_108 = arith.addi %mul3A_68, %add3A_107 : i32
      %add3A_109 = arith.constant 1 : i32
      %add3A_110 = arith.addi %mul3A_68, %add3A_109 : i32
      %rem3A_111 = arith.constant 2 : i32
      %rem3A_112 = arith.remsi %add3A_110, %rem3A_111 : i32
      %eq3A_113 = arith.cmpi eq, %rem3A_112, %arg0 : i32
      %convert_element_type3A_114 = arith.extui %eq3A_113 : i1 to i32
      %cond3A_115 = arith.constant 0 : i32
      %cond3A_116 = arith.cmpi ne, %convert_element_type3A_114, %cond3A_115 : i32
      scf.if %cond3A_116 {
        "tpu.region"() ({
          %run_scoped3A_155 = tpu.sem_alloc : memref<!tpu.dma_semaphore, #tpu.memory_space<semaphore_mem>>
          %dma_start3A = arith.constant 0 : i32
          %dma_start3A_156 = tpu.memref_slice %arg12[%add3A_108, %dma_start3A] : memref<158x128xi32, #tpu.memory_space<vmem>> -> memref<1x128xi32, #tpu.memory_space<vmem>>
          %dma_start3A_157 = tpu.memref_squeeze %dma_start3A_156 : memref<1x128xi32, #tpu.memory_space<vmem>> -> memref<128xi32, #tpu.memory_space<vmem>>
          %dma_start3A_158 = arith.constant 0 : i32
          %dma_start3A_159 = arith.constant 0 : i32
          %dma_start3A_160 = tpu.memref_slice %arg19[%dma_start3A_158, %dma_start3A_159] : memref<10112x16xf32, #tpu.memory_space<vmem_shared>> -> memref<10112x16xf32, #tpu.memory_space<vmem_shared>>
          tpu.enqueue_indirect_dma source(%arg17 : memref<128x16xf32, #tpu.memory_space<vmem>>) target(%dma_start3A_160 : memref<10112x16xf32, #tpu.memory_space<vmem_shared>>) offsets(%dma_start3A_157 : memref<128xi32, #tpu.memory_space<vmem>>) semaphore(%run_scoped3A_155 : memref<!tpu.dma_semaphore, #tpu.memory_space<semaphore_mem>>) {add = true}
          %dma_wait3A_161 = arith.constant 0 : i32
          %dma_wait3A_162 = tpu.memref_slice %arg12[%add3A_108, %dma_wait3A_161] : memref<158x128xi32, #tpu.memory_space<vmem>> -> memref<1x128xi32, #tpu.memory_space<vmem>>
          %dma_wait3A_163 = tpu.memref_squeeze %dma_wait3A_162 : memref<1x128xi32, #tpu.memory_space<vmem>> -> memref<128xi32, #tpu.memory_space<vmem>>
          %dma_wait3A_164 = arith.constant 0 : i32
          %dma_wait3A_165 = arith.constant 0 : i32
          %dma_wait3A_166 = tpu.memref_slice %arg19[%dma_wait3A_164, %dma_wait3A_165] : memref<10112x16xf32, #tpu.memory_space<vmem_shared>> -> memref<10112x16xf32, #tpu.memory_space<vmem_shared>>
          tpu.wait_indirect_dma semaphore(%run_scoped3A_155 : memref<!tpu.dma_semaphore, #tpu.memory_space<semaphore_mem>>) src(%arg17 : memref<128x16xf32, #tpu.memory_space<vmem>>) dst(%dma_wait3A_166 : memref<10112x16xf32, #tpu.memory_space<vmem_shared>>)
          tpu.yield
        }) : () -> ()
      } else {
      }
      %dma_wait3A_117 = arith.constant 0 : i32
      %dma_wait3A_118 = tpu.memref_slice %arg11[%add3A_108, %dma_wait3A_117] : memref<158x128xi32, #tpu.memory_space<vmem>> -> memref<1x128xi32, #tpu.memory_space<vmem>>
      %dma_wait3A_119 = tpu.memref_squeeze %dma_wait3A_118 : memref<1x128xi32, #tpu.memory_space<vmem>> -> memref<128xi32, #tpu.memory_space<vmem>>
      %dma_wait3A_120 = arith.constant 0 : i32
      %dma_wait3A_121 = arith.constant 0 : i32
      %dma_wait3A_122 = tpu.memref_slice %arg2[%dma_wait3A_120, %dma_wait3A_121] : memref<10000x64xbf16, #tpu.memory_space<hbm>> -> memref<10000x64xbf16, #tpu.memory_space<hbm>>
      tpu.wait_indirect_dma semaphore(%arg21 : memref<!tpu.dma_semaphore, #tpu.memory_space<semaphore_mem>>) src(%dma_wait3A_122 : memref<10000x64xbf16, #tpu.memory_space<hbm>>) dst(%arg14 : memref<128x64xbf16, #tpu.memory_space<vmem>>)
      %parallel_loop3A_123 = arith.constant 0 : i32
      %parallel_loop3A_124 = arith.constant 128 : i32
      %parallel_loop3A_125 = arith.constant 1 : i32
      scf.for %parallel_loop3A_155 = %parallel_loop3A_123 to %parallel_loop3A_124 step %parallel_loop3A_125  : i32 {
        %parallel_loop3A_156 = arith.index_cast %parallel_loop3A_155 : i32 to index
        %parallel_loop3A_157 = arith.constant 0 : index
        %parallel_loop3A_158 = tpu.vector_load %arg14[%parallel_loop3A_156, %parallel_loop3A_157] {strides = array<i32>} : memref<128x64xbf16, #tpu.memory_space<vmem>>, vector<32xbf16>,
        %parallel_loop3A_159 = vector.bitcast %parallel_loop3A_158 : vector<32xbf16> to vector<16xi32>
        %parallel_loop3A_160 = arith.index_cast %parallel_loop3A_155 : i32 to index
        %parallel_loop3A_161 = arith.constant 32 : index
        %parallel_loop3A_162 = tpu.vector_load %arg14[%parallel_loop3A_160, %parallel_loop3A_161] {strides = array<i32>} : memref<128x64xbf16, #tpu.memory_space<vmem>>, vector<32xbf16>,
        %parallel_loop3A_163 = vector.bitcast %parallel_loop3A_162 : vector<32xbf16> to vector<16xi32>
        %parallel_loop3A_164 = arith.constant 16 : i32
        %parallel_loop3A_165 = vector.broadcast %parallel_loop3A_164 : i32 to vector<16xi32>
        %parallel_loop3A_166 = arith.shli %parallel_loop3A_159, %parallel_loop3A_165 : vector<16xi32>
        %parallel_loop3A_167 = vector.bitcast %parallel_loop3A_166 : vector<16xi32> to vector<16xf32>
        %parallel_loop3A_168 = arith.index_cast %parallel_loop3A_155 : i32 to index
        %parallel_loop3A_169 = arith.constant 0 : index
        %parallel_loop3A_170 = tpu.vector_load %arg16[%parallel_loop3A_168, %parallel_loop3A_169] {strides = array<i32>} : memref<128x64xf32, #tpu.memory_space<vmem>>, vector<16xf32>,
        tpu.vector_store %arg16[%parallel_loop3A_168, %parallel_loop3A_169], %parallel_loop3A_167 {strides = array<i32>} : memref<128x64xf32, #tpu.memory_space<vmem>>, vector<16xf32>,
        %parallel_loop3A_171 = arith.constant -65536 : i32
        %parallel_loop3A_172 = vector.broadcast %parallel_loop3A_171 : i32 to vector<16xi32>
        %parallel_loop3A_173 = arith.andi %parallel_loop3A_159, %parallel_loop3A_172 : vector<16xi32>
        %parallel_loop3A_174 = vector.bitcast %parallel_loop3A_173 : vector<16xi32> to vector<16xf32>
        %parallel_loop3A_175 = arith.index_cast %parallel_loop3A_155 : i32 to index
        %parallel_loop3A_176 = arith.constant 16 : index
        %parallel_loop3A_177 = tpu.vector_load %arg16[%parallel_loop3A_175, %parallel_loop3A_176] {strides = array<i32>} : memref<128x64xf32, #tpu.memory_space<vmem>>, vector<16xf32>,
        tpu.vector_store %arg16[%parallel_loop3A_175, %parallel_loop3A_176], %parallel_loop3A_174 {strides = array<i32>} : memref<128x64xf32, #tpu.memory_space<vmem>>, vector<16xf32>,
        %parallel_loop3A_178 = arith.constant 16 : i32
        %parallel_loop3A_179 = vector.broadcast %parallel_loop3A_178 : i32 to vector<16xi32>
        %parallel_loop3A_180 = arith.shli %parallel_loop3A_163, %parallel_loop3A_179 : vector<16xi32>
        %parallel_loop3A_181 = vector.bitcast %parallel_loop3A_180 : vector<16xi32> to vector<16xf32>
        %parallel_loop3A_182 = arith.index_cast %parallel_loop3A_155 : i32 to index
        %parallel_loop3A_183 = arith.constant 32 : index
        %parallel_loop3A_184 = tpu.vector_load %arg16[%parallel_loop3A_182, %parallel_loop3A_183] {strides = array<i32>} : memref<128x64xf32, #tpu.memory_space<vmem>>, vector<16xf32>,
        tpu.vector_store %arg16[%parallel_loop3A_182, %parallel_loop3A_183], %parallel_loop3A_181 {strides = array<i32>} : memref<128x64xf32, #tpu.memory_space<vmem>>, vector<16xf32>,
        %parallel_loop3A_185 = arith.constant -65536 : i32
        %parallel_loop3A_186 = vector.broadcast %parallel_loop3A_185 : i32 to vector<16xi32>
        %parallel_loop3A_187 = arith.andi %parallel_loop3A_163, %parallel_loop3A_186 : vector<16xi32>
        %parallel_loop3A_188 = vector.bitcast %parallel_loop3A_187 : vector<16xi32> to vector<16xf32>
        %parallel_loop3A_189 = arith.index_cast %parallel_loop3A_155 : i32 to index
        %parallel_loop3A_190 = arith.constant 48 : index
        %parallel_loop3A_191 = tpu.vector_load %arg16[%parallel_loop3A_189, %parallel_loop3A_190] {strides = array<i32>} : memref<128x64xf32, #tpu.memory_space<vmem>>, vector<16xf32>,
        tpu.vector_store %arg16[%parallel_loop3A_189, %parallel_loop3A_190], %parallel_loop3A_188 {strides = array<i32>} : memref<128x64xf32, #tpu.memory_space<vmem>>, vector<16xf32>,
      } {sc.loop_unroll_factor = 8 : i64, sc.parallel_access}
      "tpu.region"() ({
        %run_scoped3A_155 = tpu.sem_alloc : memref<!tpu.dma_semaphore, #tpu.memory_space<semaphore_mem>>
        %dma_start3A = arith.constant 0 : i32
        %dma_start3A_156 = tpu.memref_slice %arg12[%add3A_108, %dma_start3A] : memref<158x128xi32, #tpu.memory_space<vmem>> -> memref<1x128xi32, #tpu.memory_space<vmem>>
        %dma_start3A_157 = tpu.memref_squeeze %dma_start3A_156 : memref<1x128xi32, #tpu.memory_space<vmem>> -> memref<128xi32, #tpu.memory_space<vmem>>
        %dma_start3A_158 = arith.constant 0 : i32
        %dma_start3A_159 = arith.constant 0 : i32
        %dma_start3A_160 = tpu.memref_slice %arg18[%dma_start3A_158, %dma_start3A_159] : memref<10112x64xf32, #tpu.memory_space<vmem_shared>> -> memref<10112x64xf32, #tpu.memory_space<vmem_shared>>
        tpu.enqueue_indirect_dma source(%arg16 : memref<128x64xf32, #tpu.memory_space<vmem>>) target(%dma_start3A_160 : memref<10112x64xf32, #tpu.memory_space<vmem_shared>>) offsets(%dma_start3A_157 : memref<128xi32, #tpu.memory_space<vmem>>) semaphore(%run_scoped3A_155 : memref<!tpu.dma_semaphore, #tpu.memory_space<semaphore_mem>>) {add = true}
        %dma_wait3A_161 = arith.constant 0 : i32
        %dma_wait3A_162 = tpu.memref_slice %arg12[%add3A_108, %dma_wait3A_161] : memref<158x128xi32, #tpu.memory_space<vmem>> -> memref<1x128xi32, #tpu.memory_space<vmem>>
        %dma_wait3A_163 = tpu.memref_squeeze %dma_wait3A_162 : memref<1x128xi32, #tpu.memory_space<vmem>> -> memref<128xi32, #tpu.memory_space<vmem>>
        %dma_wait3A_164 = arith.constant 0 : i32
        %dma_wait3A_165 = arith.constant 0 : i32
        %dma_wait3A_166 = tpu.memref_slice %arg18[%dma_wait3A_164, %dma_wait3A_165] : memref<10112x64xf32, #tpu.memory_space<vmem_shared>> -> memref<10112x64xf32, #tpu.memory_space<vmem_shared>>
        tpu.wait_indirect_dma semaphore(%run_scoped3A_155 : memref<!tpu.dma_semaphore, #tpu.memory_space<semaphore_mem>>) src(%arg16 : memref<128x64xf32, #tpu.memory_space<vmem>>) dst(%dma_wait3A_166 : memref<10112x64xf32, #tpu.memory_space<vmem_shared>>)
        tpu.yield
      }) : () -> ()
      %add3A_126 = arith.constant 4 : i32
      %add3A_127 = arith.addi %mul3A_68, %add3A_126 : i32
      %eq3A_128 = arith.constant 0 : i32
      %eq3A_129 = arith.cmpi eq, %arg0, %eq3A_128 : i32
      %convert_element_type3A_130 = arith.extui %eq3A_129 : i1 to i32
      %cond3A_131 = arith.constant 0 : i32
      %cond3A_132 = arith.cmpi ne, %convert_element_type3A_130, %cond3A_131 : i32
      scf.if %cond3A_132 {
        %dma_start3A = arith.constant 0 : i32
        %dma_start3A_155 = tpu.memref_slice %arg11[%add3A_127, %dma_start3A] : memref<158x128xi32, #tpu.memory_space<vmem>> -> memref<1x128xi32, #tpu.memory_space<vmem>>
        %dma_start3A_156 = tpu.memref_squeeze %dma_start3A_155 : memref<1x128xi32, #tpu.memory_space<vmem>> -> memref<128xi32, #tpu.memory_space<vmem>>
        %dma_start3A_157 = arith.constant 0 : i32
        %dma_start3A_158 = arith.constant 0 : i32
        %dma_start3A_159 = tpu.memref_slice %arg2[%dma_start3A_157, %dma_start3A_158] : memref<10000x64xbf16, #tpu.memory_space<hbm>> -> memref<10000x64xbf16, #tpu.memory_space<hbm>>
        tpu.enqueue_indirect_dma source(%dma_start3A_159 : memref<10000x64xbf16, #tpu.memory_space<hbm>>) target(%arg14 : memref<128x64xbf16, #tpu.memory_space<vmem>>) offsets(%dma_start3A_156 : memref<128xi32, #tpu.memory_space<vmem>>) semaphore(%arg21 : memref<!tpu.dma_semaphore, #tpu.memory_space<semaphore_mem>>)
      } else {
      }
      %eq3A_133 = arith.constant 1 : i32
      %eq3A_134 = arith.cmpi eq, %arg0, %eq3A_133 : i32
      %convert_element_type3A_135 = arith.extui %eq3A_134 : i1 to i32
      %cond3A_136 = arith.constant 0 : i32
      %cond3A_137 = arith.cmpi ne, %convert_element_type3A_135, %cond3A_136 : i32
      scf.if %cond3A_137 {
        %dma_start3A = arith.constant 0 : i32
        %dma_start3A_155 = tpu.memref_slice %arg11[%add3A_127, %dma_start3A] : memref<158x128xi32, #tpu.memory_space<vmem>> -> memref<1x128xi32, #tpu.memory_space<vmem>>
        %dma_start3A_156 = tpu.memref_squeeze %dma_start3A_155 : memref<1x128xi32, #tpu.memory_space<vmem>> -> memref<128xi32, #tpu.memory_space<vmem>>
        %dma_start3A_157 = arith.constant 0 : i32
        %dma_start3A_158 = arith.constant 0 : i32
        %dma_start3A_159 = tpu.memref_slice %arg3[%dma_start3A_157, %dma_start3A_158] : memref<10000x64xbf16, #tpu.memory_space<hbm>> -> memref<10000x64xbf16, #tpu.memory_space<hbm>>
        tpu.enqueue_indirect_dma source(%dma_start3A_159 : memref<10000x64xbf16, #tpu.memory_space<hbm>>) target(%arg14 : memref<128x64xbf16, #tpu.memory_space<vmem>>) offsets(%dma_start3A_156 : memref<128xi32, #tpu.memory_space<vmem>>) semaphore(%arg21 : memref<!tpu.dma_semaphore, #tpu.memory_space<semaphore_mem>>)
      } else {
      }
      %add3A_138 = arith.constant 2 : i32
      %add3A_139 = arith.addi %mul3A_68, %add3A_138 : i32
      %rem3A_140 = arith.constant 2 : i32
      %rem3A_141 = arith.remsi %mul3A_68, %rem3A_140 : i32
      %eq3A_142 = arith.cmpi eq, %rem3A_141, %arg0 : i32
      %convert_element_type3A_143 = arith.extui %eq3A_142 : i1 to i32
      %cond3A_144 = arith.constant 0 : i32
      %cond3A_145 = arith.cmpi ne, %convert_element_type3A_143, %cond3A_144 : i32
      scf.if %cond3A_145 {
        "tpu.region"() ({
          %run_scoped3A_155 = tpu.sem_alloc : memref<!tpu.dma_semaphore, #tpu.memory_space<semaphore_mem>>
          %dma_start3A = arith.constant 0 : i32
          %dma_start3A_156 = tpu.memref_slice %arg12[%add3A_139, %dma_start3A] : memref<158x128xi32, #tpu.memory_space<vmem>> -> memref<1x128xi32, #tpu.memory_space<vmem>>
          %dma_start3A_157 = tpu.memref_squeeze %dma_start3A_156 : memref<1x128xi32, #tpu.memory_space<vmem>> -> memref<128xi32, #tpu.memory_space<vmem>>
          %dma_start3A_158 = arith.constant 0 : i32
          %dma_start3A_159 = arith.constant 0 : i32
          %dma_start3A_160 = tpu.memref_slice %arg19[%dma_start3A_158, %dma_start3A_159] : memref<10112x16xf32, #tpu.memory_space<vmem_shared>> -> memref<10112x16xf32, #tpu.memory_space<vmem_shared>>
          tpu.enqueue_indirect_dma source(%arg17 : memref<128x16xf32, #tpu.memory_space<vmem>>) target(%dma_start3A_160 : memref<10112x16xf32, #tpu.memory_space<vmem_shared>>) offsets(%dma_start3A_157 : memref<128xi32, #tpu.memory_space<vmem>>) semaphore(%run_scoped3A_155 : memref<!tpu.dma_semaphore, #tpu.memory_space<semaphore_mem>>) {add = true}
          %dma_wait3A_161 = arith.constant 0 : i32
          %dma_wait3A_162 = tpu.memref_slice %arg12[%add3A_139, %dma_wait3A_161] : memref<158x128xi32, #tpu.memory_space<vmem>> -> memref<1x128xi32, #tpu.memory_space<vmem>>
          %dma_wait3A_163 = tpu.memref_squeeze %dma_wait3A_162 : memref<1x128xi32, #tpu.memory_space<vmem>> -> memref<128xi32, #tpu.memory_space<vmem>>
          %dma_wait3A_164 = arith.constant 0 : i32
          %dma_wait3A_165 = arith.constant 0 : i32
          %dma_wait3A_166 = tpu.memref_slice %arg19[%dma_wait3A_164, %dma_wait3A_165] : memref<10112x16xf32, #tpu.memory_space<vmem_shared>> -> memref<10112x16xf32, #tpu.memory_space<vmem_shared>>
          tpu.wait_indirect_dma semaphore(%run_scoped3A_155 : memref<!tpu.dma_semaphore, #tpu.memory_space<semaphore_mem>>) src(%arg17 : memref<128x16xf32, #tpu.memory_space<vmem>>) dst(%dma_wait3A_166 : memref<10112x16xf32, #tpu.memory_space<vmem_shared>>)
          tpu.yield
        }) : () -> ()
      } else {
      }
      %dma_wait3A_146 = arith.constant 0 : i32
      %dma_wait3A_147 = tpu.memref_slice %arg11[%add3A_139, %dma_wait3A_146] : memref<158x128xi32, #tpu.memory_space<vmem>> -> memref<1x128xi32, #tpu.memory_space<vmem>>
      %dma_wait3A_148 = tpu.memref_squeeze %dma_wait3A_147 : memref<1x128xi32, #tpu.memory_space<vmem>> -> memref<128xi32, #tpu.memory_space<vmem>>
      %dma_wait3A_149 = arith.constant 0 : i32
      %dma_wait3A_150 = arith.constant 0 : i32
      %dma_wait3A_151 = tpu.memref_slice %arg2[%dma_wait3A_149, %dma_wait3A_150] : memref<10000x64xbf16, #tpu.memory_space<hbm>> -> memref<10000x64xbf16, #tpu.memory_space<hbm>>
      tpu.wait_indirect_dma semaphore(%arg22 : memref<!tpu.dma_semaphore, #tpu.memory_space<semaphore_mem>>) src(%dma_wait3A_151 : memref<10000x64xbf16, #tpu.memory_space<hbm>>) dst(%arg15 : memref<128x64xbf16, #tpu.memory_space<vmem>>)
      %parallel_loop3A_152 = arith.constant 0 : i32
      %parallel_loop3A_153 = arith.constant 128 : i32
      %parallel_loop3A_154 = arith.constant 1 : i32
      scf.for %parallel_loop3A_155 = %parallel_loop3A_152 to %parallel_loop3A_153 step %parallel_loop3A_154  : i32 {
        %parallel_loop3A_156 = arith.index_cast %parallel_loop3A_155 : i32 to index
        %parallel_loop3A_157 = arith.constant 0 : index
        %parallel_loop3A_158 = tpu.vector_load %arg15[%parallel_loop3A_156, %parallel_loop3A_157] {strides = array<i32>} : memref<128x64xbf16, #tpu.memory_space<vmem>>, vector<32xbf16>,
        %parallel_loop3A_159 = vector.bitcast %parallel_loop3A_158 : vector<32xbf16> to vector<16xi32>
        %parallel_loop3A_160 = arith.index_cast %parallel_loop3A_155 : i32 to index
        %parallel_loop3A_161 = arith.constant 32 : index
        %parallel_loop3A_162 = tpu.vector_load %arg15[%parallel_loop3A_160, %parallel_loop3A_161] {strides = array<i32>} : memref<128x64xbf16, #tpu.memory_space<vmem>>, vector<32xbf16>,
        %parallel_loop3A_163 = vector.bitcast %parallel_loop3A_162 : vector<32xbf16> to vector<16xi32>
        %parallel_loop3A_164 = arith.constant 16 : i32
        %parallel_loop3A_165 = vector.broadcast %parallel_loop3A_164 : i32 to vector<16xi32>
        %parallel_loop3A_166 = arith.shli %parallel_loop3A_159, %parallel_loop3A_165 : vector<16xi32>
        %parallel_loop3A_167 = vector.bitcast %parallel_loop3A_166 : vector<16xi32> to vector<16xf32>
        %parallel_loop3A_168 = arith.index_cast %parallel_loop3A_155 : i32 to index
        %parallel_loop3A_169 = arith.constant 0 : index
        %parallel_loop3A_170 = tpu.vector_load %arg16[%parallel_loop3A_168, %parallel_loop3A_169] {strides = array<i32>} : memref<128x64xf32, #tpu.memory_space<vmem>>, vector<16xf32>,
        tpu.vector_store %arg16[%parallel_loop3A_168, %parallel_loop3A_169], %parallel_loop3A_167 {strides = array<i32>} : memref<128x64xf32, #tpu.memory_space<vmem>>, vector<16xf32>,
        %parallel_loop3A_171 = arith.constant -65536 : i32
        %parallel_loop3A_172 = vector.broadcast %parallel_loop3A_171 : i32 to vector<16xi32>
        %parallel_loop3A_173 = arith.andi %parallel_loop3A_159, %parallel_loop3A_172 : vector<16xi32>
        %parallel_loop3A_174 = vector.bitcast %parallel_loop3A_173 : vector<16xi32> to vector<16xf32>
        %parallel_loop3A_175 = arith.index_cast %parallel_loop3A_155 : i32 to index
        %parallel_loop3A_176 = arith.constant 16 : index
        %parallel_loop3A_177 = tpu.vector_load %arg16[%parallel_loop3A_175, %parallel_loop3A_176] {strides = array<i32>} : memref<128x64xf32, #tpu.memory_space<vmem>>, vector<16xf32>,
        tpu.vector_store %arg16[%parallel_loop3A_175, %parallel_loop3A_176], %parallel_loop3A_174 {strides = array<i32>} : memref<128x64xf32, #tpu.memory_space<vmem>>, vector<16xf32>,
        %parallel_loop3A_178 = arith.constant 16 : i32
        %parallel_loop3A_179 = vector.broadcast %parallel_loop3A_178 : i32 to vector<16xi32>
        %parallel_loop3A_180 = arith.shli %parallel_loop3A_163, %parallel_loop3A_179 : vector<16xi32>
        %parallel_loop3A_181 = vector.bitcast %parallel_loop3A_180 : vector<16xi32> to vector<16xf32>
        %parallel_loop3A_182 = arith.index_cast %parallel_loop3A_155 : i32 to index
        %parallel_loop3A_183 = arith.constant 32 : index
        %parallel_loop3A_184 = tpu.vector_load %arg16[%parallel_loop3A_182, %parallel_loop3A_183] {strides = array<i32>} : memref<128x64xf32, #tpu.memory_space<vmem>>, vector<16xf32>,
        tpu.vector_store %arg16[%parallel_loop3A_182, %parallel_loop3A_183], %parallel_loop3A_181 {strides = array<i32>} : memref<128x64xf32, #tpu.memory_space<vmem>>, vector<16xf32>,
        %parallel_loop3A_185 = arith.constant -65536 : i32
        %parallel_loop3A_186 = vector.broadcast %parallel_loop3A_185 : i32 to vector<16xi32>
        %parallel_loop3A_187 = arith.andi %parallel_loop3A_163, %parallel_loop3A_186 : vector<16xi32>
        %parallel_loop3A_188 = vector.bitcast %parallel_loop3A_187 : vector<16xi32> to vector<16xf32>
        %parallel_loop3A_189 = arith.index_cast %parallel_loop3A_155 : i32 to index
        %parallel_loop3A_190 = arith.constant 48 : index
        %parallel_loop3A_191 = tpu.vector_load %arg16[%parallel_loop3A_189, %parallel_loop3A_190] {strides = array<i32>} : memref<128x64xf32, #tpu.memory_space<vmem>>, vector<16xf32>,
        tpu.vector_store %arg16[%parallel_loop3A_189, %parallel_loop3A_190], %parallel_loop3A_188 {strides = array<i32>} : memref<128x64xf32, #tpu.memory_space<vmem>>, vector<16xf32>,
      } {sc.loop_unroll_factor = 8 : i64, sc.parallel_access}
      "tpu.region"() ({
        %run_scoped3A_155 = tpu.sem_alloc : memref<!tpu.dma_semaphore, #tpu.memory_space<semaphore_mem>>
        %dma_start3A = arith.constant 0 : i32
        %dma_start3A_156 = tpu.memref_slice %arg12[%add3A_139, %dma_start3A] : memref<158x128xi32, #tpu.memory_space<vmem>> -> memref<1x128xi32, #tpu.memory_space<vmem>>
        %dma_start3A_157 = tpu.memref_squeeze %dma_start3A_156 : memref<1x128xi32, #tpu.memory_space<vmem>> -> memref<128xi32, #tpu.memory_space<vmem>>
        %dma_start3A_158 = arith.constant 0 : i32
        %dma_start3A_159 = arith.constant 0 : i32
        %dma_start3A_160 = tpu.memref_slice %arg18[%dma_start3A_158, %dma_start3A_159] : memref<10112x64xf32, #tpu.memory_space<vmem_shared>> -> memref<10112x64xf32, #tpu.memory_space<vmem_shared>>
        tpu.enqueue_indirect_dma source(%arg16 : memref<128x64xf32, #tpu.memory_space<vmem>>) target(%dma_start3A_160 : memref<10112x64xf32, #tpu.memory_space<vmem_shared>>) offsets(%dma_start3A_157 : memref<128xi32, #tpu.memory_space<vmem>>) semaphore(%run_scoped3A_155 : memref<!tpu.dma_semaphore, #tpu.memory_space<semaphore_mem>>) {add = true}
        %dma_wait3A_161 = arith.constant 0 : i32
        %dma_wait3A_162 = tpu.memref_slice %arg12[%add3A_139, %dma_wait3A_161] : memref<158x128xi32, #tpu.memory_space<vmem>> -> memref<1x128xi32, #tpu.memory_space<vmem>>
        %dma_wait3A_163 = tpu.memref_squeeze %dma_wait3A_162 : memref<1x128xi32, #tpu.memory_space<vmem>> -> memref<128xi32, #tpu.memory_space<vmem>>
        %dma_wait3A_164 = arith.constant 0 : i32
        %dma_wait3A_165 = arith.constant 0 : i32
        %dma_wait3A_166 = tpu.memref_slice %arg18[%dma_wait3A_164, %dma_wait3A_165] : memref<10112x64xf32, #tpu.memory_space<vmem_shared>> -> memref<10112x64xf32, #tpu.memory_space<vmem_shared>>
        tpu.wait_indirect_dma semaphore(%run_scoped3A_155 : memref<!tpu.dma_semaphore, #tpu.memory_space<semaphore_mem>>) src(%arg16 : memref<128x64xf32, #tpu.memory_space<vmem>>) dst(%dma_wait3A_166 : memref<10112x64xf32, #tpu.memory_space<vmem_shared>>)
        tpu.yield
      }) : () -> ()
    }
    %scan3A_24 = arith.constant 52 : i32
    %rem3A = arith.constant 156 : i32
    %rem3A_25 = arith.constant 2 : i32
    %rem3A_26 = arith.remsi %rem3A, %rem3A_25 : i32
    %eq3A_27 = arith.cmpi eq, %rem3A_26, %arg0 : i32
    %convert_element_type3A_28 = arith.extui %eq3A_27 : i1 to i32
    %cond3A_29 = arith.constant 0 : i32
    %cond3A_30 = arith.cmpi ne, %convert_element_type3A_28, %cond3A_29 : i32
    scf.if %cond3A_30 {
      %run_scoped3A_66 = arith.constant 156 : i32
      "tpu.region"() ({
        %run_scoped3A_67 = tpu.sem_alloc : memref<!tpu.dma_semaphore, #tpu.memory_space<semaphore_mem>>
        %dma_start3A = arith.constant 0 : i32
        %dma_start3A_68 = tpu.memref_slice %arg12[%run_scoped3A_66, %dma_start3A] : memref<158x128xi32, #tpu.memory_space<vmem>> -> memref<1x128xi32, #tpu.memory_space<vmem>>
        %dma_start3A_69 = tpu.memref_squeeze %dma_start3A_68 : memref<1x128xi32, #tpu.memory_space<vmem>> -> memref<128xi32, #tpu.memory_space<vmem>>
        %dma_start3A_70 = arith.constant 0 : i32
        %dma_start3A_71 = arith.constant 0 : i32
        %dma_start3A_72 = tpu.memref_slice %arg19[%dma_start3A_70, %dma_start3A_71] : memref<10112x16xf32, #tpu.memory_space<vmem_shared>> -> memref<10112x16xf32, #tpu.memory_space<vmem_shared>>
        tpu.enqueue_indirect_dma source(%arg17 : memref<128x16xf32, #tpu.memory_space<vmem>>) target(%dma_start3A_72 : memref<10112x16xf32, #tpu.memory_space<vmem_shared>>) offsets(%dma_start3A_69 : memref<128xi32, #tpu.memory_space<vmem>>) semaphore(%run_scoped3A_67 : memref<!tpu.dma_semaphore, #tpu.memory_space<semaphore_mem>>) {add = true}
        %dma_wait3A_73 = arith.constant 0 : i32
        %dma_wait3A_74 = tpu.memref_slice %arg12[%run_scoped3A_66, %dma_wait3A_73] : memref<158x128xi32, #tpu.memory_space<vmem>> -> memref<1x128xi32, #tpu.memory_space<vmem>>
        %dma_wait3A_75 = tpu.memref_squeeze %dma_wait3A_74 : memref<1x128xi32, #tpu.memory_space<vmem>> -> memref<128xi32, #tpu.memory_space<vmem>>
        %dma_wait3A_76 = arith.constant 0 : i32
        %dma_wait3A_77 = arith.constant 0 : i32
        %dma_wait3A_78 = tpu.memref_slice %arg19[%dma_wait3A_76, %dma_wait3A_77] : memref<10112x16xf32, #tpu.memory_space<vmem_shared>> -> memref<10112x16xf32, #tpu.memory_space<vmem_shared>>
        tpu.wait_indirect_dma semaphore(%run_scoped3A_67 : memref<!tpu.dma_semaphore, #tpu.memory_space<semaphore_mem>>) src(%arg17 : memref<128x16xf32, #tpu.memory_space<vmem>>) dst(%dma_wait3A_78 : memref<10112x16xf32, #tpu.memory_space<vmem_shared>>)
        tpu.yield
      }) : () -> ()
    } else {
    }
    %dma_wait3A = arith.constant 156 : i32
    %dma_wait3A_31 = arith.constant 0 : i32
    %dma_wait3A_32 = tpu.memref_slice %arg11[%dma_wait3A, %dma_wait3A_31] : memref<158x128xi32, #tpu.memory_space<vmem>> -> memref<1x128xi32, #tpu.memory_space<vmem>>
    %dma_wait3A_33 = tpu.memref_squeeze %dma_wait3A_32 : memref<1x128xi32, #tpu.memory_space<vmem>> -> memref<128xi32, #tpu.memory_space<vmem>>
    %dma_wait3A_34 = arith.constant 0 : i32
    %dma_wait3A_35 = arith.constant 0 : i32
    %dma_wait3A_36 = tpu.memref_slice %arg2[%dma_wait3A_34, %dma_wait3A_35] : memref<10000x64xbf16, #tpu.memory_space<hbm>> -> memref<10000x64xbf16, #tpu.memory_space<hbm>>
    tpu.wait_indirect_dma semaphore(%arg20 : memref<!tpu.dma_semaphore, #tpu.memory_space<semaphore_mem>>) src(%dma_wait3A_36 : memref<10000x64xbf16, #tpu.memory_space<hbm>>) dst(%arg13 : memref<128x64xbf16, #tpu.memory_space<vmem>>)
    %parallel_loop3A = arith.constant 0 : i32
    %parallel_loop3A_37 = arith.constant 128 : i32
    %parallel_loop3A_38 = arith.constant 1 : i32
    scf.for %parallel_loop3A_66 = %parallel_loop3A to %parallel_loop3A_37 step %parallel_loop3A_38  : i32 {
      %parallel_loop3A_67 = arith.index_cast %parallel_loop3A_66 : i32 to index
      %parallel_loop3A_68 = arith.constant 0 : index
      %parallel_loop3A_69 = tpu.vector_load %arg13[%parallel_loop3A_67, %parallel_loop3A_68] {strides = array<i32>} : memref<128x64xbf16, #tpu.memory_space<vmem>>, vector<32xbf16>,
      %parallel_loop3A_70 = vector.bitcast %parallel_loop3A_69 : vector<32xbf16> to vector<16xi32>
      %parallel_loop3A_71 = arith.index_cast %parallel_loop3A_66 : i32 to index
      %parallel_loop3A_72 = arith.constant 32 : index
      %parallel_loop3A_73 = tpu.vector_load %arg13[%parallel_loop3A_71, %parallel_loop3A_72] {strides = array<i32>} : memref<128x64xbf16, #tpu.memory_space<vmem>>, vector<32xbf16>,
      %parallel_loop3A_74 = vector.bitcast %parallel_loop3A_73 : vector<32xbf16> to vector<16xi32>
      %parallel_loop3A_75 = arith.constant 16 : i32
      %parallel_loop3A_76 = vector.broadcast %parallel_loop3A_75 : i32 to vector<16xi32>
      %parallel_loop3A_77 = arith.shli %parallel_loop3A_70, %parallel_loop3A_76 : vector<16xi32>
      %parallel_loop3A_78 = vector.bitcast %parallel_loop3A_77 : vector<16xi32> to vector<16xf32>
      %parallel_loop3A_79 = arith.index_cast %parallel_loop3A_66 : i32 to index
      %parallel_loop3A_80 = arith.constant 0 : index
      %parallel_loop3A_81 = tpu.vector_load %arg16[%parallel_loop3A_79, %parallel_loop3A_80] {strides = array<i32>} : memref<128x64xf32, #tpu.memory_space<vmem>>, vector<16xf32>,
      tpu.vector_store %arg16[%parallel_loop3A_79, %parallel_loop3A_80], %parallel_loop3A_78 {strides = array<i32>} : memref<128x64xf32, #tpu.memory_space<vmem>>, vector<16xf32>,
      %parallel_loop3A_82 = arith.constant -65536 : i32
      %parallel_loop3A_83 = vector.broadcast %parallel_loop3A_82 : i32 to vector<16xi32>
      %parallel_loop3A_84 = arith.andi %parallel_loop3A_70, %parallel_loop3A_83 : vector<16xi32>
      %parallel_loop3A_85 = vector.bitcast %parallel_loop3A_84 : vector<16xi32> to vector<16xf32>
      %parallel_loop3A_86 = arith.index_cast %parallel_loop3A_66 : i32 to index
      %parallel_loop3A_87 = arith.constant 16 : index
      %parallel_loop3A_88 = tpu.vector_load %arg16[%parallel_loop3A_86, %parallel_loop3A_87] {strides = array<i32>} : memref<128x64xf32, #tpu.memory_space<vmem>>, vector<16xf32>,
      tpu.vector_store %arg16[%parallel_loop3A_86, %parallel_loop3A_87], %parallel_loop3A_85 {strides = array<i32>} : memref<128x64xf32, #tpu.memory_space<vmem>>, vector<16xf32>,
      %parallel_loop3A_89 = arith.constant 16 : i32
      %parallel_loop3A_90 = vector.broadcast %parallel_loop3A_89 : i32 to vector<16xi32>
      %parallel_loop3A_91 = arith.shli %parallel_loop3A_74, %parallel_loop3A_90 : vector<16xi32>
      %parallel_loop3A_92 = vector.bitcast %parallel_loop3A_91 : vector<16xi32> to vector<16xf32>
      %parallel_loop3A_93 = arith.index_cast %parallel_loop3A_66 : i32 to index
      %parallel_loop3A_94 = arith.constant 32 : index
      %parallel_loop3A_95 = tpu.vector_load %arg16[%parallel_loop3A_93, %parallel_loop3A_94] {strides = array<i32>} : memref<128x64xf32, #tpu.memory_space<vmem>>, vector<16xf32>,
      tpu.vector_store %arg16[%parallel_loop3A_93, %parallel_loop3A_94], %parallel_loop3A_92 {strides = array<i32>} : memref<128x64xf32, #tpu.memory_space<vmem>>, vector<16xf32>,
      %parallel_loop3A_96 = arith.constant -65536 : i32
      %parallel_loop3A_97 = vector.broadcast %parallel_loop3A_96 : i32 to vector<16xi32>
      %parallel_loop3A_98 = arith.andi %parallel_loop3A_74, %parallel_loop3A_97 : vector<16xi32>
      %parallel_loop3A_99 = vector.bitcast %parallel_loop3A_98 : vector<16xi32> to vector<16xf32>
      %parallel_loop3A_100 = arith.index_cast %parallel_loop3A_66 : i32 to index
      %parallel_loop3A_101 = arith.constant 48 : index
      %parallel_loop3A_102 = tpu.vector_load %arg16[%parallel_loop3A_100, %parallel_loop3A_101] {strides = array<i32>} : memref<128x64xf32, #tpu.memory_space<vmem>>, vector<16xf32>,
      tpu.vector_store %arg16[%parallel_loop3A_100, %parallel_loop3A_101], %parallel_loop3A_99 {strides = array<i32>} : memref<128x64xf32, #tpu.memory_space<vmem>>, vector<16xf32>,
    } {sc.loop_unroll_factor = 8 : i64, sc.parallel_access}
    %run_scoped3A = arith.constant 156 : i32
    "tpu.region"() ({
      %run_scoped3A_66 = tpu.sem_alloc : memref<!tpu.dma_semaphore, #tpu.memory_space<semaphore_mem>>
      %dma_start3A = arith.constant 0 : i32
      %dma_start3A_67 = tpu.memref_slice %arg12[%run_scoped3A, %dma_start3A] : memref<158x128xi32, #tpu.memory_space<vmem>> -> memref<1x128xi32, #tpu.memory_space<vmem>>
      %dma_start3A_68 = tpu.memref_squeeze %dma_start3A_67 : memref<1x128xi32, #tpu.memory_space<vmem>> -> memref<128xi32, #tpu.memory_space<vmem>>
      %dma_start3A_69 = arith.constant 0 : i32
      %dma_start3A_70 = arith.constant 0 : i32
      %dma_start3A_71 = tpu.memref_slice %arg18[%dma_start3A_69, %dma_start3A_70] : memref<10112x64xf32, #tpu.memory_space<vmem_shared>> -> memref<10112x64xf32, #tpu.memory_space<vmem_shared>>
      tpu.enqueue_indirect_dma source(%arg16 : memref<128x64xf32, #tpu.memory_space<vmem>>) target(%dma_start3A_71 : memref<10112x64xf32, #tpu.memory_space<vmem_shared>>) offsets(%dma_start3A_68 : memref<128xi32, #tpu.memory_space<vmem>>) semaphore(%run_scoped3A_66 : memref<!tpu.dma_semaphore, #tpu.memory_space<semaphore_mem>>) {add = true}
      %dma_wait3A_72 = arith.constant 0 : i32
      %dma_wait3A_73 = tpu.memref_slice %arg12[%run_scoped3A, %dma_wait3A_72] : memref<158x128xi32, #tpu.memory_space<vmem>> -> memref<1x128xi32, #tpu.memory_space<vmem>>
      %dma_wait3A_74 = tpu.memref_squeeze %dma_wait3A_73 : memref<1x128xi32, #tpu.memory_space<vmem>> -> memref<128xi32, #tpu.memory_space<vmem>>
      %dma_wait3A_75 = arith.constant 0 : i32
      %dma_wait3A_76 = arith.constant 0 : i32
      %dma_wait3A_77 = tpu.memref_slice %arg18[%dma_wait3A_75, %dma_wait3A_76] : memref<10112x64xf32, #tpu.memory_space<vmem_shared>> -> memref<10112x64xf32, #tpu.memory_space<vmem_shared>>
      tpu.wait_indirect_dma semaphore(%run_scoped3A_66 : memref<!tpu.dma_semaphore, #tpu.memory_space<semaphore_mem>>) src(%arg16 : memref<128x64xf32, #tpu.memory_space<vmem>>) dst(%dma_wait3A_77 : memref<10112x64xf32, #tpu.memory_space<vmem_shared>>)
      tpu.yield
    }) : () -> ()
    %rem3A_39 = arith.constant 157 : i32
    %rem3A_40 = arith.constant 2 : i32
    %rem3A_41 = arith.remsi %rem3A_39, %rem3A_40 : i32
    %eq3A_42 = arith.cmpi eq, %rem3A_41, %arg0 : i32
    %convert_element_type3A_43 = arith.extui %eq3A_42 : i1 to i32
    %cond3A_44 = arith.constant 0 : i32
    %cond3A_45 = arith.cmpi ne, %convert_element_type3A_43, %cond3A_44 : i32
    scf.if %cond3A_45 {
      %run_scoped3A_66 = arith.constant 157 : i32
      "tpu.region"() ({
        %run_scoped3A_67 = tpu.sem_alloc : memref<!tpu.dma_semaphore, #tpu.memory_space<semaphore_mem>>
        %dma_start3A = arith.constant 0 : i32
        %dma_start3A_68 = tpu.memref_slice %arg12[%run_scoped3A_66, %dma_start3A] : memref<158x128xi32, #tpu.memory_space<vmem>> -> memref<1x128xi32, #tpu.memory_space<vmem>>
        %dma_start3A_69 = tpu.memref_squeeze %dma_start3A_68 : memref<1x128xi32, #tpu.memory_space<vmem>> -> memref<128xi32, #tpu.memory_space<vmem>>
        %dma_start3A_70 = arith.constant 0 : i32
        %dma_start3A_71 = arith.constant 0 : i32
        %dma_start3A_72 = tpu.memref_slice %arg19[%dma_start3A_70, %dma_start3A_71] : memref<10112x16xf32, #tpu.memory_space<vmem_shared>> -> memref<10112x16xf32, #tpu.memory_space<vmem_shared>>
        tpu.enqueue_indirect_dma source(%arg17 : memref<128x16xf32, #tpu.memory_space<vmem>>) target(%dma_start3A_72 : memref<10112x16xf32, #tpu.memory_space<vmem_shared>>) offsets(%dma_start3A_69 : memref<128xi32, #tpu.memory_space<vmem>>) semaphore(%run_scoped3A_67 : memref<!tpu.dma_semaphore, #tpu.memory_space<semaphore_mem>>) {add = true}
        %dma_wait3A_73 = arith.constant 0 : i32
        %dma_wait3A_74 = tpu.memref_slice %arg12[%run_scoped3A_66, %dma_wait3A_73] : memref<158x128xi32, #tpu.memory_space<vmem>> -> memref<1x128xi32, #tpu.memory_space<vmem>>
        %dma_wait3A_75 = tpu.memref_squeeze %dma_wait3A_74 : memref<1x128xi32, #tpu.memory_space<vmem>> -> memref<128xi32, #tpu.memory_space<vmem>>
        %dma_wait3A_76 = arith.constant 0 : i32
        %dma_wait3A_77 = arith.constant 0 : i32
        %dma_wait3A_78 = tpu.memref_slice %arg19[%dma_wait3A_76, %dma_wait3A_77] : memref<10112x16xf32, #tpu.memory_space<vmem_shared>> -> memref<10112x16xf32, #tpu.memory_space<vmem_shared>>
        tpu.wait_indirect_dma semaphore(%run_scoped3A_67 : memref<!tpu.dma_semaphore, #tpu.memory_space<semaphore_mem>>) src(%arg17 : memref<128x16xf32, #tpu.memory_space<vmem>>) dst(%dma_wait3A_78 : memref<10112x16xf32, #tpu.memory_space<vmem_shared>>)
        tpu.yield
      }) : () -> ()
    } else {
    }
    %dma_wait3A_46 = arith.constant 157 : i32
    %dma_wait3A_47 = arith.constant 0 : i32
    %dma_wait3A_48 = tpu.memref_slice %arg11[%dma_wait3A_46, %dma_wait3A_47] : memref<158x128xi32, #tpu.memory_space<vmem>> -> memref<1x128xi32, #tpu.memory_space<vmem>>
    %dma_wait3A_49 = tpu.memref_squeeze %dma_wait3A_48 : memref<1x128xi32, #tpu.memory_space<vmem>> -> memref<128xi32, #tpu.memory_space<vmem>>
    %dma_wait3A_50 = arith.constant 0 : i32
    %dma_wait3A_51 = arith.constant 0 : i32
    %dma_wait3A_52 = tpu.memref_slice %arg2[%dma_wait3A_50, %dma_wait3A_51] : memref<10000x64xbf16, #tpu.memory_space<hbm>> -> memref<10000x64xbf16, #tpu.memory_space<hbm>>
    tpu.wait_indirect_dma semaphore(%arg21 : memref<!tpu.dma_semaphore, #tpu.memory_space<semaphore_mem>>) src(%dma_wait3A_52 : memref<10000x64xbf16, #tpu.memory_space<hbm>>) dst(%arg14 : memref<128x64xbf16, #tpu.memory_space<vmem>>)
    %parallel_loop3A_53 = arith.constant 0 : i32
    %parallel_loop3A_54 = arith.constant 128 : i32
    %parallel_loop3A_55 = arith.constant 1 : i32
    scf.for %parallel_loop3A_66 = %parallel_loop3A_53 to %parallel_loop3A_54 step %parallel_loop3A_55  : i32 {
      %parallel_loop3A_67 = arith.index_cast %parallel_loop3A_66 : i32 to index
      %parallel_loop3A_68 = arith.constant 0 : index
      %parallel_loop3A_69 = tpu.vector_load %arg14[%parallel_loop3A_67, %parallel_loop3A_68] {strides = array<i32>} : memref<128x64xbf16, #tpu.memory_space<vmem>>, vector<32xbf16>,
      %parallel_loop3A_70 = vector.bitcast %parallel_loop3A_69 : vector<32xbf16> to vector<16xi32>
      %parallel_loop3A_71 = arith.index_cast %parallel_loop3A_66 : i32 to index
      %parallel_loop3A_72 = arith.constant 32 : index
      %parallel_loop3A_73 = tpu.vector_load %arg14[%parallel_loop3A_71, %parallel_loop3A_72] {strides = array<i32>} : memref<128x64xbf16, #tpu.memory_space<vmem>>, vector<32xbf16>,
      %parallel_loop3A_74 = vector.bitcast %parallel_loop3A_73 : vector<32xbf16> to vector<16xi32>
      %parallel_loop3A_75 = arith.constant 16 : i32
      %parallel_loop3A_76 = vector.broadcast %parallel_loop3A_75 : i32 to vector<16xi32>
      %parallel_loop3A_77 = arith.shli %parallel_loop3A_70, %parallel_loop3A_76 : vector<16xi32>
      %parallel_loop3A_78 = vector.bitcast %parallel_loop3A_77 : vector<16xi32> to vector<16xf32>
      %parallel_loop3A_79 = arith.index_cast %parallel_loop3A_66 : i32 to index
      %parallel_loop3A_80 = arith.constant 0 : index
      %parallel_loop3A_81 = tpu.vector_load %arg16[%parallel_loop3A_79, %parallel_loop3A_80] {strides = array<i32>} : memref<128x64xf32, #tpu.memory_space<vmem>>, vector<16xf32>,
      tpu.vector_store %arg16[%parallel_loop3A_79, %parallel_loop3A_80], %parallel_loop3A_78 {strides = array<i32>} : memref<128x64xf32, #tpu.memory_space<vmem>>, vector<16xf32>,
      %parallel_loop3A_82 = arith.constant -65536 : i32
      %parallel_loop3A_83 = vector.broadcast %parallel_loop3A_82 : i32 to vector<16xi32>
      %parallel_loop3A_84 = arith.andi %parallel_loop3A_70, %parallel_loop3A_83 : vector<16xi32>
      %parallel_loop3A_85 = vector.bitcast %parallel_loop3A_84 : vector<16xi32> to vector<16xf32>
      %parallel_loop3A_86 = arith.index_cast %parallel_loop3A_66 : i32 to index
      %parallel_loop3A_87 = arith.constant 16 : index
      %parallel_loop3A_88 = tpu.vector_load %arg16[%parallel_loop3A_86, %parallel_loop3A_87] {strides = array<i32>} : memref<128x64xf32, #tpu.memory_space<vmem>>, vector<16xf32>,
      tpu.vector_store %arg16[%parallel_loop3A_86, %parallel_loop3A_87], %parallel_loop3A_85 {strides = array<i32>} : memref<128x64xf32, #tpu.memory_space<vmem>>, vector<16xf32>,
      %parallel_loop3A_89 = arith.constant 16 : i32
      %parallel_loop3A_90 = vector.broadcast %parallel_loop3A_89 : i32 to vector<16xi32>
      %parallel_loop3A_91 = arith.shli %parallel_loop3A_74, %parallel_loop3A_90 : vector<16xi32>
      %parallel_loop3A_92 = vector.bitcast %parallel_loop3A_91 : vector<16xi32> to vector<16xf32>
      %parallel_loop3A_93 = arith.index_cast %parallel_loop3A_66 : i32 to index
      %parallel_loop3A_94 = arith.constant 32 : index
      %parallel_loop3A_95 = tpu.vector_load %arg16[%parallel_loop3A_93, %parallel_loop3A_94] {strides = array<i32>} : memref<128x64xf32, #tpu.memory_space<vmem>>, vector<16xf32>,
      tpu.vector_store %arg16[%parallel_loop3A_93, %parallel_loop3A_94], %parallel_loop3A_92 {strides = array<i32>} : memref<128x64xf32, #tpu.memory_space<vmem>>, vector<16xf32>,
      %parallel_loop3A_96 = arith.constant -65536 : i32
      %parallel_loop3A_97 = vector.broadcast %parallel_loop3A_96 : i32 to vector<16xi32>
      %parallel_loop3A_98 = arith.andi %parallel_loop3A_74, %parallel_loop3A_97 : vector<16xi32>
      %parallel_loop3A_99 = vector.bitcast %parallel_loop3A_98 : vector<16xi32> to vector<16xf32>
      %parallel_loop3A_100 = arith.index_cast %parallel_loop3A_66 : i32 to index
      %parallel_loop3A_101 = arith.constant 48 : index
      %parallel_loop3A_102 = tpu.vector_load %arg16[%parallel_loop3A_100, %parallel_loop3A_101] {strides = array<i32>} : memref<128x64xf32, #tpu.memory_space<vmem>>, vector<16xf32>,
      tpu.vector_store %arg16[%parallel_loop3A_100, %parallel_loop3A_101], %parallel_loop3A_99 {strides = array<i32>} : memref<128x64xf32, #tpu.memory_space<vmem>>, vector<16xf32>,
    } {sc.loop_unroll_factor = 8 : i64, sc.parallel_access}
    %run_scoped3A_56 = arith.constant 157 : i32
    "tpu.region"() ({
      %run_scoped3A_66 = tpu.sem_alloc : memref<!tpu.dma_semaphore, #tpu.memory_space<semaphore_mem>>
      %dma_start3A = arith.constant 0 : i32
      %dma_start3A_67 = tpu.memref_slice %arg12[%run_scoped3A_56, %dma_start3A] : memref<158x128xi32, #tpu.memory_space<vmem>> -> memref<1x128xi32, #tpu.memory_space<vmem>>
      %dma_start3A_68 = tpu.memref_squeeze %dma_start3A_67 : memref<1x128xi32, #tpu.memory_space<vmem>> -> memref<128xi32, #tpu.memory_space<vmem>>
      %dma_start3A_69 = arith.constant 0 : i32
      %dma_start3A_70 = arith.constant 0 : i32
      %dma_start3A_71 = tpu.memref_slice %arg18[%dma_start3A_69, %dma_start3A_70] : memref<10112x64xf32, #tpu.memory_space<vmem_shared>> -> memref<10112x64xf32, #tpu.memory_space<vmem_shared>>
      tpu.enqueue_indirect_dma source(%arg16 : memref<128x64xf32, #tpu.memory_space<vmem>>) target(%dma_start3A_71 : memref<10112x64xf32, #tpu.memory_space<vmem_shared>>) offsets(%dma_start3A_68 : memref<128xi32, #tpu.memory_space<vmem>>) semaphore(%run_scoped3A_66 : memref<!tpu.dma_semaphore, #tpu.memory_space<semaphore_mem>>) {add = true}
      %dma_wait3A_72 = arith.constant 0 : i32
      %dma_wait3A_73 = tpu.memref_slice %arg12[%run_scoped3A_56, %dma_wait3A_72] : memref<158x128xi32, #tpu.memory_space<vmem>> -> memref<1x128xi32, #tpu.memory_space<vmem>>
      %dma_wait3A_74 = tpu.memref_squeeze %dma_wait3A_73 : memref<1x128xi32, #tpu.memory_space<vmem>> -> memref<128xi32, #tpu.memory_space<vmem>>
      %dma_wait3A_75 = arith.constant 0 : i32
      %dma_wait3A_76 = arith.constant 0 : i32
      %dma_wait3A_77 = tpu.memref_slice %arg18[%dma_wait3A_75, %dma_wait3A_76] : memref<10112x64xf32, #tpu.memory_space<vmem_shared>> -> memref<10112x64xf32, #tpu.memory_space<vmem_shared>>
      tpu.wait_indirect_dma semaphore(%run_scoped3A_66 : memref<!tpu.dma_semaphore, #tpu.memory_space<semaphore_mem>>) src(%arg16 : memref<128x64xf32, #tpu.memory_space<vmem>>) dst(%dma_wait3A_77 : memref<10112x64xf32, #tpu.memory_space<vmem_shared>>)
      tpu.yield
    }) : () -> ()
    %barrier3A_57 = arith.constant 0 : index
    tpu.barrier barrier_id(%barrier3A_57)
    %mul3A_58 = arith.constant 632 : i32
    %mul3A_59 = arith.muli %arg1, %mul3A_58 : i32
    %mul3A_60 = arith.constant 632 : i32
    %mul3A_61 = arith.muli %arg1, %mul3A_60 : i32
    "tpu.region"() ({
      %run_scoped3A_66 = tpu.sem_alloc : memref<!tpu.dma_semaphore, #tpu.memory_space<semaphore_mem>>
      %dma_start3A = arith.constant 0 : i32
      %dma_start3A_67 = tpu.memref_slice %arg9[%arg0, %mul3A_61, %dma_start3A] : memref<2x10112x64xf32, #tpu.memory_space<hbm>> -> memref<1x632x64xf32, #tpu.memory_space<hbm>>
      %dma_start3A_68 = tpu.memref_squeeze %dma_start3A_67 : memref<1x632x64xf32, #tpu.memory_space<hbm>> -> memref<632x64xf32, #tpu.memory_space<hbm>>
      %dma_start3A_69 = arith.constant 0 : i32
      %dma_start3A_70 = tpu.memref_slice %arg18[%mul3A_59, %dma_start3A_69] : memref<10112x64xf32, #tpu.memory_space<vmem_shared>> -> memref<632x64xf32, #tpu.memory_space<vmem_shared>>
      tpu.enqueue_dma source(%dma_start3A_70 : memref<632x64xf32, #tpu.memory_space<vmem_shared>>) target(%dma_start3A_68 : memref<632x64xf32, #tpu.memory_space<hbm>>) target_semaphore(%run_scoped3A_66 : memref<!tpu.dma_semaphore, #tpu.memory_space<semaphore_mem>>)
      %dma_wait3A_71 = arith.constant 0 : i32
      %dma_wait3A_72 = tpu.memref_slice %arg9[%arg0, %mul3A_61, %dma_wait3A_71] : memref<2x10112x64xf32, #tpu.memory_space<hbm>> -> memref<1x632x64xf32, #tpu.memory_space<hbm>>
      %dma_wait3A_73 = tpu.memref_squeeze %dma_wait3A_72 : memref<1x632x64xf32, #tpu.memory_space<hbm>> -> memref<632x64xf32, #tpu.memory_space<hbm>>
      %dma_wait3A_74 = arith.constant 0 : i32
      %dma_wait3A_75 = tpu.memref_slice %arg18[%mul3A_59, %dma_wait3A_74] : memref<10112x64xf32, #tpu.memory_space<vmem_shared>> -> memref<632x64xf32, #tpu.memory_space<vmem_shared>>
      tpu.wait_dma2 semaphore(%run_scoped3A_66 : memref<!tpu.dma_semaphore, #tpu.memory_space<semaphore_mem>>) src(%dma_wait3A_75 : memref<632x64xf32, #tpu.memory_space<vmem_shared>>) dst(%dma_wait3A_73 : memref<632x64xf32, #tpu.memory_space<hbm>>)
      tpu.yield
    }) : () -> ()
    %mul3A_62 = arith.constant 632 : i32
    %mul3A_63 = arith.muli %arg1, %mul3A_62 : i32
    %mul3A_64 = arith.constant 632 : i32
    %mul3A_65 = arith.muli %arg1, %mul3A_64 : i32
    "tpu.region"() ({
      %run_scoped3A_66 = tpu.sem_alloc : memref<!tpu.dma_semaphore, #tpu.memory_space<semaphore_mem>>
      %dma_start3A = arith.constant 0 : i32
      %dma_start3A_67 = tpu.memref_slice %arg10[%arg0, %mul3A_65, %dma_start3A] : memref<2x10112x16xf32, #tpu.memory_space<hbm>> -> memref<1x632x16xf32, #tpu.memory_space<hbm>>
      %dma_start3A_68 = tpu.memref_squeeze %dma_start3A_67 : memref<1x632x16xf32, #tpu.memory_space<hbm>> -> memref<632x16xf32, #tpu.memory_space<hbm>>
      %dma_start3A_69 = arith.constant 0 : i32
      %dma_start3A_70 = tpu.memref_slice %arg19[%mul3A_63, %dma_start3A_69] : memref<10112x16xf32, #tpu.memory_space<vmem_shared>> -> memref<632x16xf32, #tpu.memory_space<vmem_shared>>
      tpu.enqueue_dma source(%dma_start3A_70 : memref<632x16xf32, #tpu.memory_space<vmem_shared>>) target(%dma_start3A_68 : memref<632x16xf32, #tpu.memory_space<hbm>>) target_semaphore(%run_scoped3A_66 : memref<!tpu.dma_semaphore, #tpu.memory_space<semaphore_mem>>)
      %dma_wait3A_71 = arith.constant 0 : i32
      %dma_wait3A_72 = tpu.memref_slice %arg10[%arg0, %mul3A_65, %dma_wait3A_71] : memref<2x10112x16xf32, #tpu.memory_space<hbm>> -> memref<1x632x16xf32, #tpu.memory_space<hbm>>
      %dma_wait3A_73 = tpu.memref_squeeze %dma_wait3A_72 : memref<1x632x16xf32, #tpu.memory_space<hbm>> -> memref<632x16xf32, #tpu.memory_space<hbm>>
      %dma_wait3A_74 = arith.constant 0 : i32
      %dma_wait3A_75 = tpu.memref_slice %arg19[%mul3A_63, %dma_wait3A_74] : memref<10112x16xf32, #tpu.memory_space<vmem_shared>> -> memref<632x16xf32, #tpu.memory_space<vmem_shared>>
      tpu.wait_dma2 semaphore(%run_scoped3A_66 : memref<!tpu.dma_semaphore, #tpu.memory_space<semaphore_mem>>) src(%dma_wait3A_75 : memref<632x16xf32, #tpu.memory_space<vmem_shared>>) dst(%dma_wait3A_73 : memref<632x16xf32, #tpu.memory_space<hbm>>)
      tpu.yield
    }) : () -> ()
    return
  }
}

module attributes {stable_mosaic.version = 14 : i64} {
  func.func @_tc_self_body(%arg0: i32, %arg1: memref<1000x128xf32, #tpu.memory_space<vmem>>, %arg2: memref<128x128xf32, #tpu.memory_space<vmem>>, %arg3: memref<1x128xf32, #tpu.memory_space<vmem>>, %arg4: memref<1000x128xf32, #tpu.memory_space<vmem>>) attributes {dimension_semantics = [#tpu.dimension_semantics<arbitrary>], iteration_bounds = array<i64: 10>, scalar_prefetch = 0 : i64, scratch_operands = 0 : i64, tpu.core_type = #tpu.core_type<tc>, window_params = [{transform_indices = @transform_0, window_bounds = array<i64: 1000, 128>}, {pipeline_mode = #tpu.pipeline_mode<synchronous>, transform_indices = @transform_1, window_bounds = array<i64: 128, 128>}, {pipeline_mode = #tpu.pipeline_mode<synchronous>, transform_indices = @transform_2, window_bounds = array<i64: 1, 128>}, {transform_indices = @transform_3, window_bounds = array<i64: 1000, 128>}]} {
    %get3A = arith.constant 0 : index
    %get3A_0 = arith.constant 0 : index
    %get3A_1 = vector.load %arg1[%get3A, %get3A_0] : memref<1000x128xf32, #tpu.memory_space<vmem>>, vector<1000x128xf32>
    %get3A_2 = arith.constant 0 : index
    %get3A_3 = arith.constant 0 : index
    %get3A_4 = vector.load %arg2[%get3A_2, %get3A_3] : memref<128x128xf32, #tpu.memory_space<vmem>>, vector<128x128xf32>
    %dot_general3A = arith.constant dense<0.000000e+00> : vector<1000x128xf32>
    %dot_general3A_5 = tpu.matmul %get3A_1, %get3A_4, %dot_general3A {dimension_numbers = #tpu.dot_dimension_numbers<[1], [0], [0], [1], [0, 0, 1, 1], [], []>, precision = #tpu.contract_precision<fp32>, transpose_lhs_hint = false} : vector<1000x128xf32>, vector<128x128xf32>, vector<1000x128xf32> -> vector<1000x128xf32>
    %get3A_6 = arith.constant 0 : index
    %get3A_7 = arith.constant 0 : index
    %get3A_8 = vector.load %arg3[%get3A_6, %get3A_7] : memref<1x128xf32, #tpu.memory_space<vmem>>, vector<1x128xf32>
    %add3A = vector.broadcast %get3A_8 : vector<1x128xf32> to vector<1000x128xf32>
    %add3A_9 = arith.addf %dot_general3A_5, %add3A : vector<1000x128xf32>
    %swap3A = arith.constant 0 : index
    %swap3A_10 = arith.constant 0 : index
    %swap3A_11 = vector.load %arg4[%swap3A, %swap3A_10] : memref<1000x128xf32, #tpu.memory_space<vmem>>, vector<1000x128xf32>
    tpu.vector_store %arg4[%swap3A, %swap3A_10], %add3A_9 {strides = array<i32>} : memref<1000x128xf32, #tpu.memory_space<vmem>>, vector<1000x128xf32>,
    return
  }
  func.func @transform_0(%arg0: i32) -> (i32, i32) {
    %c0_i32 = arith.constant 0 : i32
    %c0_i32_0 = arith.constant 0 : i32
    return %arg0, %c0_i32 : i32, i32
  }
  func.func @transform_1(%arg0: i32) -> (i32, i32) {
    %c0_i32 = arith.constant 0 : i32
    %c0_i32_0 = arith.constant 0 : i32
    %c0_i32_1 = arith.constant 0 : i32
    return %c0_i32, %c0_i32_0 : i32, i32
  }
  func.func @transform_2(%arg0: i32) -> (i32, i32) {
    %c0_i32 = arith.constant 0 : i32
    %c0_i32_0 = arith.constant 0 : i32
    %c0_i32_1 = arith.constant 0 : i32
    return %c0_i32, %c0_i32_0 : i32, i32
  }
  func.func @transform_3(%arg0: i32) -> (i32, i32) {
    %c0_i32 = arith.constant 0 : i32
    %c0_i32_0 = arith.constant 0 : i32
    return %arg0, %c0_i32 : i32, i32
  }
}

module attributes {stable_mosaic.version = 14 : i64} {
  func.func @_tc_body(%arg0: i32, %arg1: memref<1000x128xf32, #tpu.memory_space<vmem>>, %arg2: memref<2x1000x64xf32, #tpu.memory_space<vmem>>, %arg3: memref<2x1000x16xf32, #tpu.memory_space<vmem>>, %arg4: memref<128x128xf32, #tpu.memory_space<vmem>>, %arg5: memref<1000x128xf32, #tpu.memory_space<vmem>>) attributes {dimension_semantics = [#tpu.dimension_semantics<arbitrary>], iteration_bounds = array<i64: 10>, scalar_prefetch = 0 : i64, scratch_operands = 0 : i64, tpu.core_type = #tpu.core_type<tc>, window_params = [{transform_indices = @transform_0, window_bounds = array<i64: 1000, 128>}, {transform_indices = @transform_1, window_bounds = array<i64: 2, 1000, 64>}, {transform_indices = @transform_2, window_bounds = array<i64: 2, 1000, 16>}, {pipeline_mode = #tpu.pipeline_mode<synchronous>, transform_indices = @transform_3, window_bounds = array<i64: 128, 128>}, {transform_indices = @transform_4, window_bounds = array<i64: 1000, 128>}]} {
    %get3A = arith.constant 0 : index
    %get3A_0 = arith.constant 0 : index
    %get3A_1 = arith.constant 0 : index
    %get3A_2 = vector.load %arg3[%get3A, %get3A_0, %get3A_1] : memref<2x1000x16xf32, #tpu.memory_space<vmem>>, vector<1x1000x1xf32>
    %get3A_3 = vector.shape_cast %get3A_2 : vector<1x1000x1xf32> to vector<1000x1xf32>
    %get3A_4 = arith.constant 1 : index
    %get3A_5 = arith.constant 0 : index
    %get3A_6 = arith.constant 0 : index
    %get3A_7 = vector.load %arg3[%get3A_4, %get3A_5, %get3A_6] : memref<2x1000x16xf32, #tpu.memory_space<vmem>>, vector<1x1000x1xf32>
    %get3A_8 = vector.shape_cast %get3A_7 : vector<1x1000x1xf32> to vector<1000x1xf32>
    %add3A = arith.addf %get3A_3, %get3A_8 : vector<1000x1xf32>
    %max3A = arith.constant 1.000000e+00 : f32
    %max3A_9 = vector.broadcast %max3A : f32 to vector<1000x1xf32>
    %max3A_10 = arith.maximumf %add3A, %max3A_9 : vector<1000x1xf32>
    %div3A = arith.constant 1.000000e+00 : f32
    %div3A_11 = vector.broadcast %div3A : f32 to vector<1000x1xf32>
    %div3A_12 = arith.divf %div3A_11, %max3A_10 : vector<1000x1xf32>
    %get3A_13 = arith.constant 0 : index
    %get3A_14 = arith.constant 0 : index
    %get3A_15 = arith.constant 0 : index
    %get3A_16 = vector.load %arg2[%get3A_13, %get3A_14, %get3A_15] : memref<2x1000x64xf32, #tpu.memory_space<vmem>>, vector<1x1000x64xf32>
    %get3A_17 = vector.shape_cast %get3A_16 : vector<1x1000x64xf32> to vector<1000x64xf32>
    %get3A_18 = arith.constant 1 : index
    %get3A_19 = arith.constant 0 : index
    %get3A_20 = arith.constant 0 : index
    %get3A_21 = vector.load %arg2[%get3A_18, %get3A_19, %get3A_20] : memref<2x1000x64xf32, #tpu.memory_space<vmem>>, vector<1x1000x64xf32>
    %get3A_22 = vector.shape_cast %get3A_21 : vector<1x1000x64xf32> to vector<1000x64xf32>
    %concatenate3A = tpu.concatenate %get3A_17, %get3A_22 in 1 : vector<1000x64xf32>, vector<1000x64xf32> -> vector<1000x128xf32>
    %mul3A = vector.broadcast %div3A_12 : vector<1000x1xf32> to vector<1000x128xf32>
    %mul3A_23 = arith.mulf %concatenate3A, %mul3A : vector<1000x128xf32>
    %get3A_24 = arith.constant 0 : index
    %get3A_25 = arith.constant 0 : index
    %get3A_26 = vector.load %arg1[%get3A_24, %get3A_25] : memref<1000x128xf32, #tpu.memory_space<vmem>>, vector<1000x128xf32>
    %get3A_27 = arith.constant 0 : index
    %get3A_28 = arith.constant 0 : index
    %get3A_29 = vector.load %arg4[%get3A_27, %get3A_28] : memref<128x128xf32, #tpu.memory_space<vmem>>, vector<128x128xf32>
    %dot_general3A = arith.constant dense<0.000000e+00> : vector<1000x128xf32>
    %dot_general3A_30 = tpu.matmul %mul3A_23, %get3A_29, %dot_general3A {dimension_numbers = #tpu.dot_dimension_numbers<[1], [0], [0], [1], [0, 0, 1, 1], [], []>, precision = #tpu.contract_precision<fp32>, transpose_lhs_hint = false} : vector<1000x128xf32>, vector<128x128xf32>, vector<1000x128xf32> -> vector<1000x128xf32>
    %add3A_31 = arith.addf %get3A_26, %dot_general3A_30 : vector<1000x128xf32>
    %swap3A = arith.constant 0 : index
    %swap3A_32 = arith.constant 0 : index
    %swap3A_33 = vector.load %arg5[%swap3A, %swap3A_32] : memref<1000x128xf32, #tpu.memory_space<vmem>>, vector<1000x128xf32>
    tpu.vector_store %arg5[%swap3A, %swap3A_32], %add3A_31 {strides = array<i32>} : memref<1000x128xf32, #tpu.memory_space<vmem>>, vector<1000x128xf32>,
    return
  }
  func.func @transform_0(%arg0: i32) -> (i32, i32) {
    %c0_i32 = arith.constant 0 : i32
    %c0_i32_0 = arith.constant 0 : i32
    return %arg0, %c0_i32 : i32, i32
  }
  func.func @transform_1(%arg0: i32) -> (i32, i32, i32) {
    %c0_i32 = arith.constant 0 : i32
    %c0_i32_0 = arith.constant 0 : i32
    %c0_i32_1 = arith.constant 0 : i32
    return %c0_i32, %arg0, %c0_i32_0 : i32, i32, i32
  }
  func.func @transform_2(%arg0: i32) -> (i32, i32, i32) {
    %c0_i32 = arith.constant 0 : i32
    %c0_i32_0 = arith.constant 0 : i32
    %c0_i32_1 = arith.constant 0 : i32
    return %c0_i32, %arg0, %c0_i32_0 : i32, i32, i32
  }
  func.func @transform_3(%arg0: i32) -> (i32, i32) {
    %c0_i32 = arith.constant 0 : i32
    %c0_i32_0 = arith.constant 0 : i32
    %c0_i32_1 = arith.constant 0 : i32
    return %c0_i32, %c0_i32_0 : i32, i32
  }
  func.func @transform_4(%arg0: i32) -> (i32, i32) {
    %c0_i32 = arith.constant 0 : i32
    %c0_i32_0 = arith.constant 0 : i32
    return %arg0, %c0_i32 : i32, i32
  }
}

</mosaic_0001>

<sc_bundles>
// kernel: kernel.5.cloned.1.call-start
scs
__scs_entry_jumppad:
0x0: {  	(pc) =	sbr.rel $0x88, $3  }
0x1: {  	(tag) =	ssettag $0x0;
	lr =	simm.s32 $0x1  }
0x2: {  	[smem:$0x3F9C] =	sst lr;
	_ =	strace $0xD0000000  }
0x3: {  	_ = 	snop  }
0x4: {  	_ = 	snop  }
0x5: {  	_ = 	snop  }
0x6: {  	_ = 	snop  }
0x7: {  	_ = 	snop  }
__scs_overlays_trampoline_lowered:
0x8: {  	[smem:$0x3FAB] =	sst s0  }
0x9: {  	[smem:$0x3FAC] =	sst s1  }
0xa: {  	[smem:$0x3FAD] =	sst s2  }
0xb: {  	[smem:$0x3FAE] =	sst s3  }
0xc: {  	[smem:$0x3FAF] =	sst s4  }
0xd: {  	[smem:$0x3FB0] =	sst s5  }
0xe: {  	[smem:$0x3FB1] =	sst s6  }
0xf: {  	[smem:$0x3FB2] =	sst s7  }
0x10: {  	[smem:$0x3FB3] =	sst s8  }
0x11: {  	[smem:$0x3FB4] =	sst s9;
	s0 =	simm.s32 @!p0 $0x0  }
0x12: {  	s1 =	sld [smem:$0x3F9A];
	s0 =	simm.s32 @p0 $0x1  }
0x13: {  	[smem:$0x3FB5] =	sst s0;
	s0 =	simm.s32 @!p1 $0x0  }
0x14: {  	s2 =	sld [smem:$0x3F99];
	s0 =	simm.s32 @p1 $0x1  }
0x15: {  	[smem:$0x3FB6] =	sst s0;
	s0 =	simm.s32 @!p2 $0x0  }
0x16: {  	s3 =	sld [smem:$0x3FDB];
	s0 =	simm.s32 @p2 $0x1  }
0x17: {  	s4 =	simm.s32 $0x1BF5;
	[smem:$0x3FB8] =	sst s0  }
0x18: {  	s0 =	sld [smem:$0x3F9B];
	_ =	swait.ge [sflag:s4], $0x0  }
0x19: {  	s7 =	sld [smem:$0x3F9C]  }
0x1a: {  	s8 =	sadd.s32 $0xFFFFE003, lr  }
0x1b: {  	s9 =	sadd.s32 $0xFFFFFEF7, lr;
	s5 =	simm.s32 $0xFFFFFFFF;
	p2 =	slt.u32 s8, $0xFFFFF086  }
0x1c: {  	p1 =	slt.u32 s9, $0xF7A;
	s5 =	simm.s32 @!p2 $0x0  }
0x1d: {  	s5 =	simm.s32 @p1 $0x1;
	p0 =	seq.s32 s7, s2  }
0x1e: {  	s7 =	smul.u32 @!p0 $0xF7A, s2;
	p2 =	seq.s32 @!p0 s5, $0x0  }
0x1f: {  	s9 =	smul.u32 $0xF7A, s1;
	s8 =	simm.s32 @!p0 $0x1BF5;
	p2 =	por !p2, p0  }
0x20: {  	[sflag:s8] =	ssyncset.s32 @!p0 $0xFFFFF086;
	s6 =	sadd.s32 @!p0 s3, s7;
	s7 =	simm.s32 @!p0 $0x108  }
0x21: {  	s3 =	sadd.s32 s3, s9;
	s6 =	sadd.s32 @!p0 $0x88, s6;
	s7 =	simm.s32 @p2 $0x1082  }
0x22: {  	[simem:s7], [sflag:s8] =	dma.local @!p0 [hbm:s6], $0xF7A  }
0x23: {  	s9 =	sor.u32 $0xD0000000, s2;
	s6 =	simm.s32 $0x108;
	_ =	swait.ge @!p0 [sflag:s8], $0x0  }
0x24: {  	s3 =	sadd.s32 $0x88, s3;
	s6 =	simm.s32 @!p1 $0x1082;
	[sflag:s4] =	ssyncset.s32 $0xFFFFF086  }
0x25: {  	[simem:s6], [sflag:s4] =	dma.local [hbm:s3], $0xF7A  }
0x26: {  	[smem:$0x3F9C] =	sst s1;
	(tag) =	ssettag s2;
	_ =	strace s9  }
0x27: {  	s1 =	sld [smem:$0x3FAC]  }
0x28: {  	s2 =	sld [smem:$0x3FAD]  }
0x29: {  	s4 =	sld [smem:$0x3FAF]  }
0x2a: {  	p0 =	seq.s32 s5, $0x0;
	s5 =	sld [smem:$0x3FB0]  }
0x2b: {  	s6 =	sld [smem:$0x3FB1]  }
0x2c: {  	s7 =	sld [smem:$0x3FB2]  }
0x2d: {  	s3 =	simm.s32 $0x108;
	s8 =	sld [smem:$0x3FB3]  }
0x2e: {  	s3 =	simm.s32 @!p0 $0x1082;
	s9 =	sld [smem:$0x3FB4]  }
0x2f: {  	lr =	sadd.s32 s0, s3;
	s0 =	sld [smem:$0x3FAB]  }
0x30: {  	s3 =	sld [smem:$0x3FAE]  }
0x31: {  	[smem:$0x3FB7] =	sst s10  }
0x32: {  	s10 =	sld [smem:$0x3FB5];
	_ =	sdelay $0x3  }
0x33: {  	p0 =	seq.s32 s10, $0x1;
	s10 =	sld [smem:$0x3FB7];
	_ =	sdelay $0x3  }
0x34: {  	[smem:$0x3FB7] =	sst s10  }
0x35: {  	s10 =	sld [smem:$0x3FB6];
	_ =	sdelay $0x3  }
0x36: {  	p1 =	seq.s32 s10, $0x1;
	s10 =	sld [smem:$0x3FB7];
	_ =	sdelay $0x3  }
0x37: {  	[smem:$0x3FB7] =	sst s10  }
0x38: {  	s10 =	sld [smem:$0x3FB8]  }
0x39: {  	_ = 	snop;
	(pc) =	sbr.ind lr, $3  }
0x3a: {  	_ = 	snop  }
0x3b: {  	_ = 	snop  }
0x3c: {  	p2 =	seq.s32 s10, $0x1;
	s10 =	sld [smem:$0x3FB7]  }
0x3d: {  	_ =	shalt  }
0x3e: {  	_ =	shalt  }
0x3f: {  	_ =	shalt  }
0x40: {  	_ =	shalt  }
0x41: {  	_ =	shalt  }
0x42: {  	_ =	shalt  }
0x43: {  	_ =	shalt  }
0x44: {  	_ =	shalt  }
0x45: {  	_ =	shalt  }
0x46: {  	_ =	shalt  }
0x47: {  	_ =	shalt  }
0x48: {  	_ =	shalt  }
0x49: {  	_ =	shalt  }
0x4a: {  	_ =	shalt  }
0x4b: {  	_ =	shalt  }
0x4c: {  	_ =	shalt  }
0x4d: {  	_ =	shalt  }
0x4e: {  	_ =	shalt  }
0x4f: {  	_ =	shalt  }
0x50: {  	_ =	shalt  }
0x51: {  	_ =	shalt  }
0x52: {  	_ =	shalt  }
0x53: {  	_ =	shalt  }
0x54: {  	_ =	shalt  }
0x55: {  	_ =	shalt  }
0x56: {  	_ =	shalt  }
0x57: {  	_ =	shalt  }
0x58: {  	_ =	shalt  }
0x59: {  	_ =	shalt  }
0x5a: {  	_ =	shalt  }
0x5b: {  	_ =	shalt  }
0x5c: {  	_ =	shalt  }
0x5d: {  	_ =	shalt  }
0x5e: {  	_ =	shalt  }
0x5f: {  	_ =	shalt  }
0x60: {  	_ =	shalt  }
0x61: {  	_ =	shalt  }
0x62: {  	_ =	shalt  }
0x63: {  	_ =	shalt  }
0x64: {  	_ =	shalt  }
0x65: {  	_ =	shalt  }
0x66: {  	_ =	shalt  }
0x67: {  	_ =	shalt  }
0x68: {  	_ =	shalt  }
0x69: {  	_ =	shalt  }
0x6a: {  	_ =	shalt  }
0x6b: {  	_ =	shalt  }
0x6c: {  	_ =	shalt  }
0x6d: {  	_ =	shalt  }
0x6e: {  	_ =	shalt  }
0x6f: {  	_ =	shalt  }
0x70: {  	_ =	shalt  }
0x71: {  	_ =	shalt  }
0x72: {  	_ =	shalt  }
0x73: {  	_ =	shalt  }
0x74: {  	_ =	shalt  }
0x75: {  	_ =	shalt  }
0x76: {  	_ =	shalt  }
0x77: {  	_ =	shalt  }
0x78: {  	_ =	shalt  }
0x79: {  	_ =	shalt  }
0x7a: {  	_ =	shalt  }
0x7b: {  	_ =	shalt  }
0x7c: {  	_ =	shalt  }
0x7d: {  	_ =	shalt  }
0x7e: {  	_ =	shalt  }
0x7f: {  	_ =	shalt  }
0x80: {  	_ =	shalt  }
0x81: {  	_ =	shalt  }
0x82: {  	_ =	shalt  }
0x83: {  	_ =	shalt  }
0x84: {  	_ =	shalt  }
0x85: {  	_ =	shalt  }
0x86: {  	_ =	shalt  }
0x87: {  	_ =	shalt  }
.Lfunc_end0:
.L_simem_size_0:
called_computation_lowered:
.L_overlay_start_0:
0x88: {  	s2 =	sld [smem:$0x3FD9]  }
0x89: {  	s3 =	sld [smem:$0x3FFE];
	_ =	sdelay $0x1  }
0x8a: {  	s1 =	srdreg.scid  }
0x8b: {  	s0 =	sand.u32 $0x1, s1  }
0x8c: {  	s17 =	sshll.u32 s0, $0xA;
	s2 =	sadd.s32 s3, s2  }
0x8d: {  	s2 =	sadd.s32 s2, s17  }
0x8e: {  	[smem:$0x3FC3] =	sst s2  }
0x8f: {  	_ = 	snop  }
0x90: {  	s2 =	sld [smem:$0x3FD0];
	(tm) =	ssettm $0x1  }
0x91: {  	s18 =	sld [smem:$0x3FFB];
	_ =	sdelay $0x3  }
0x92: {  	_ =	strace s18  }
0x93: {  	s3 =	sld [smem:$0x3FFC];
	_ =	sdelay $0x3  }
0x94: {  	_ =	strace s3  }
0x95: {  	s3 =	sld [smem:$0x3FFD];
	_ =	sdelay $0x3  }
0x96: {  	_ =	strace s3  }
0x97: {  	_ =	strace $0x8FFFFFFF  }
0x98: {  	s19 =	sld [smem:$0x3FDB];
	_ =	sdelay $0x1  }
0x99: {  	s4 =	simm.s32 $_scs_section_size  }
0x9a: {  	s5 =	simm.s32 $_size__tile_overlayer_lowered;
	s6 =	simm.s32 $_tile_overlayer_lowered  }
0x9b: {  	s22 =	simm.s32 $0x1BFF;
	s21 =	sshll.u32 s6, $0x1;
	s3 =	sadd.s32 s4, s19  }
0x9c: {  	s7 =	simm.s32 $0x0;
	s20 =	sshll.u32 s5, $0x1;
	s5 =	sadd.s32 s21, s3  }
0x9d: {  	[timem:s7], [sflag:s22] =	dma.local [hbm:s5], s20  }
0x9e: {  	_ =	swait.ge [sflag:s22], s20  }
0x9f: {  	s4 =	ssub.s32 $0x0, s20;
	[sflag:s22] =	ssyncset.done $0x0  }
0xa0: {  	[sflag:s22] =	ssyncadd.s32 s4;
	_ =	sdelay $0x1  }
0xa1: {  	s23 =	simm.s32 $0x1B8B  }
0xa2: {  	_ =	swait.ge [sflag:s23], $0x1  }
0xa3: {  	[sflag:s23] =	ssyncset.done $0x0  }
0xa4: {  	s25 =	simm.s32 $0x1B8E;
	s24 =	sld [smem:$0x3FFE];
	[sflag:s23] =	ssyncadd.s32 $0xFFFFFFFF  }
0xa5: {  	s26 =	simm.s32 $execute0_lowered;
	[smem:$0x3FD2] =	sst s25  }
0xa6: {  	s5 =	sshll.u32 s26, $0x1;
	_ =	strace $0x80000046;
	[dreg:$0x1] =	wrdreg $0xFFFFFFFF  }
0xa7: {  	s28 =	simm.s32 $_size_execute0_lowered;
	s3 =	sadd.s32 s3, s5;
	[dreg:$0x0] =	wrdreg $0x0  }
0xa8: {  	s5 =	sshll.u32 s28, $0x1;
	[dreg:$0x2] =	wrdreg s3  }
0xa9: {  	[dreg:$0x3] =	wrdreg s5  }
0xaa: {  	[dreg:$0x4] =	wrdreg $0xC0  }
0xab: {  	_ =	task [dreg:s7], $0x5FFFF  }
0xac: {  	[dreg:$0x1] =	wrdreg $0xFFFFFFFF  }
0xad: {  	[dreg:$0x0] =	wrdreg $0x60  }
0xae: {  	[dreg:$0x2] =	wrdreg s24  }
0xaf: {  	[dreg:$0x3] =	wrdreg s2  }
0xb0: {  	[dreg:$0x4] =	wrdreg $0xF6000  }
0xb1: {  	[dreg:$0x5] =	wrdreg $0x194000  }
0xb2: {  	[dreg:$0x6] =	wrdreg $0x9  }
0xb3: {  	_ =	task.clear_ibuf [dreg:s7], $0x7FFFF;
	_ =	strace $0x90000046  }
0xb4: {  	s29 =	simm.s32 $0x9;
	_ =	strace $0x80000048  }
0xb5: {  	_ =	swait.ge [sflag:s29], $0x1  }
0xb6: {  	[sflag:s29] =	ssyncadd.s32 $0xFFFFFFFF  }
0xb7: {  	_ =	strace $0x90000048  }
0xb8: {  	_ =	sfence  }
0xb9: {  	s30 =	sld [smem:$0x0];
	_ =	sdelay $0x2  }
0xba: {  	s31 =	sshll.u32 s1, $0xD;
	s1 =	sshrl.u32 s1, $0x2  }
0xbb: {  	s3 =	sand.u32 $0x4000, s31;
	s1 =	sadd.s32 s1, s30  }
0xbc: {  	s0 =	sor.u32 s3, s0;
	s1 =	sshll.u32 s1, $0x11  }
0xbd: {  	s0 =	sor.u32 s1, s0  }
0xbe: {  	s0 =	sadd.s32 $0x8F2B, s0  }
0xbf: {  	[sflag:s0] =	ssyncadd.remote.s32 $0x1  }
0xc0: {  	_ =	sfence.sel $0xFFFF  }
0xc1: {  	[dreg:$0x0] =	wrdreg $0xFFFFFFFF;
	(pc) =	sbr.abs _section_cstart, $3  }
0xc2: {  	[dreg:$0x1] =	wrdreg $0xFFFFFFFF  }
0xc3: {  	_ =	task.clear_ibuf [dreg:s7], $0x2FFFF;
	_ =	strace $0x9FFFFFFF  }
0xc4: {  	(tm) =	ssettm $0x7FFFFFFF  }
0xc5: {  	_ =	shalt  }
tec
execute0_lowered:
.L_overlay_start_1:
0x0: {  	(tag) =	ssettag $0x1  }
0x1: {  	s0 =	rddreg [dreg:$0x0]  }
0x2: {  	s2 =	rddreg [dreg:$0x1]  }
0x3: {  	s1 =	rddreg [dreg:$0x2];
	s14 =	stileid.u32  }
0x4: {  	s4 =	srdreg.scid;
	s3 =	rddreg [dreg:$0x3]  }
0x5: {  	s5 =	simm.s32 $0x0;
	s17 =	simm.s32 $0x4;
	s21 =	simm.s32 $0x80  }
0x6: {  	s22 =	simm.s32 $0x9E00;
	s23 =	simm.s32 $0xAE00;
	s24 =	simm.s32 $0xBE00  }
0x7: {  	s28 =	simm.s32 $0x2;
	s29 =	simm.s32 $0x3;
	s6 =	smul.u32 $0x9E0, s14  }
0x8: {  	s4 =	sand.u32 $0x1, s4;
	s7 =	smul.u32 $0x9E00, s14;
	[smem:$0x7FF] =	sst s5  }
0x9: {  	s10 =	smul.u32 $0x2780, s14;
	s12 =	sadd.s32 $0x20A00, s0;
	s25 =	sadd.s32 $0x20400, s0  }
0xa: {  	s26 =	sadd.s32 $0x20200, s0;
	_ =	strace $0x80000047;
	[dreg:$0x5] =	wrdreg s12  }
0xb: {  	s14 =	sshll.u32 s14, $0x6;
	s8 =	smul.u32 $0x9E000, s4;
	[dreg:$0x6] =	wrdreg s25  }
0xc: {  	s9 =	smul.u32 $0x27800, s4;
	[dreg:$0x7] =	wrdreg s26;
	s30 =	ssub.s32 $0x2, s4  }
0xd: {  	p0 =	seq.s32 s4, $0x0;
	s25 =	simm.s32 $0x1;
	p1 =	sne.s32 s4, $0x0  }
0xe: {  	s26 =	simm.s32 $0xCE00;
	s11 =	sadd.s32 s6, s0;
	s31 =	sshrl.u32 s30, $0x1  }
0xf: {  	s18 =	sadd.s32 s10, s3;
	s8 =	sadd.s32 s7, s8;
	s9 =	sadd.s32 s10, s9  }
0x10: {  	s15 =	ssub.s32 s30, s31;
	s7 =	sadd.s32 s7, s1;
	s10 =	sadd.s32 $0x16400, s11  }
0x11: {  	s11 =	sadd.s32 s2, s6;
	s2 =	simm.s32 $0xC600;
	s18 =	sshrl.u32 s18, $0x3  }
0x12: {  	s8 =	sshrl.u32 s8, $0x3;
	s9 =	sshrl.u32 s9, $0x3;
	s2 =	simm.s32 @!p0 $0x2800  }
0x13: {  	s16 =	sshrl.u32 s7, $0x3;
	s8 =	sadd.s32 s8, s0;
	s13 =	sadd.s32 s9, s0  }
0x14: {  	s9 =	sor.u32 $0x1C04, s14;
	s14 =	smax.u32 s15, $0x1;
	s15 =	sadd.s32 s2, s0  }
0x15: {  	s2 =	simm.s32 $0x0;
	s12 =	sadd.s32 $0x21E00, s8;
	s13 =	sadd.s32 $0x49600, s13  }
.LBB2_1:
0x16: {  	s0 =	rddreg [dreg:$0x5]  }
0x17: {  	[spmem:s16], [sflag:s9] =	dma.local [hbm:s0], $0x13C0  }
0x18: {  	_ =	swait.ge [sflag:s17], $0x13C0  }
0x19: {  	[sflag:s17] =	ssyncset.done $0x0  }
0x1a: {  	s20 =	rddreg [dreg:$0x6];
	[sflag:s17] =	ssyncadd.s32 $0xFFFFEC40  }
0x1b: {  	[spmem:s18], [sflag:s9] =	dma.local [hbm:s20], $0x4F0  }
0x1c: {  	_ =	swait.ge [sflag:s17], $0x4F0  }
0x1d: {  	[sflag:s17] =	ssyncset.done $0x0  }
0x1e: {  	[sflag:s17] =	ssyncadd.s32 $0xFFFFFB10  }
0x1f: {  	[tilespmem:s5], [sflag:$0x4] =	stream.linear.gather [hbm4b:s10+s5], $0x4F00, $0x38;
	[tilespmem:$0x1BB80] =	vst v63  }
0x20: {  	_ =	swait.ge [sflag:s17], $0x4F00  }
0x21: {  	[sflag:s17] =	ssyncset.done $0x0  }
0x22: {  	s30 =	simm.s32 $0x4F00;
	[sflag:s17] =	ssyncadd.s32 $0xFFFFB100  }
0x23: {  	[tilespmem:s30], [sflag:$0x4] =	stream.linear.gather [hbm4b:s11+s5], $0x4F00, $0x38;
	[tilespmem:$0x1BB80] =	vst v63  }
0x24: {  	_ =	swait.ge [sflag:s17], $0x4F00  }
0x25: {  	[sflag:s17] =	ssyncset.done $0x0  }
0x26: {  	s6 =	simm.s32 $0xEE00;
	s31 =	rddreg [dreg:$0x7];
	[sflag:s17] =	ssyncadd.s32 $0xFFFFB100  }
0x27: {  	[tilespmem:s6], [sflag:$0x4] =	stream.linear.gather [hbm4b:s31+s5], $0x800, $0x38;
	[tilespmem:$0x1BB80] =	vst v63  }
0x28: {  	_ =	swait.ge [sflag:s17], $0x800  }
0x29: {  	[sflag:s17] =	ssyncset.done $0x0  }
0x2a: {  	[sflag:s17] =	ssyncadd.s32 $0xFFFFF800  }
0x2b: {  	[tilespmem:s22], [sflag:$0x1] =	stream.indirect.gather [hbm4b:s15+s21], $0x20, s5, s21, $0xb8;
	[tilespmem:$0x1BB80] =	vst v63  }
0x2c: {  	_ = 	snop  }
0x2d: {  	[tilespmem:s23], [sflag:$0x2] =	stream.indirect.gather [hbm4b:s15+s21], $0x20, s21, s21, $0xb8;
	[tilespmem:$0x1BB80] =	vst v63  }
0x2e: {  	s0 =	simm.s32 $0x0;
	[bflag:$0x0] =	sbarrier.arrive $0xFFFF  }
.LBB2_2:
0x2f: {  	s31 =	smul.u32 $0x3, s0  }
0x30: {  	s30 =	smul.u32 $0x600, s0  }
0x31: {  	s6 =	sand.u32 $0x1, s31  }
0x32: {  	s20 =	sadd.s32 $0x400, s30;
	p2 =	sne.s32 s6, s4  }
0x33: {  	s19 =	sshra.s32 s20, $0x2;
	s6 =	smul.u32 @!p2 $0x600, s0  }
0x34: {  	[tilespmem:s24], [sflag:$0x3] =	stream.indirect.gather [hbm4b:s15+s21], $0x20, s19, s21, $0xb8;
	[tilespmem:$0x1BB80] =	vst v63  }
0x35: {  	s6 =	sshra.s32 @!p2 s6, $0x2  }
0x36: {  	s7 =	simm.s32 @!p2 $0x80;
	s8 =	simm.s32 @!p2 $0xEE00;
	s6 =	sadd.s32 @!p2 $0x4F00, s6  }
0x37: {  	[spmem:s3] =	stream.indirect.scatter.add.f32 @!p2 [tilespmem:s8], [sflag:$0x4], $0x10, s6, s7, $0xb8;
	[tilespmem:$0x1BB80] =	vst v63  }
0x38: {  	s6 =	simm.s32 @!p2 $0x4  }
0x39: {  	_ =	swait.ge @!p2 [sflag:s6], $0x800  }
0x3a: {  	[sflag:s6] =	ssyncset.done @!p2 $0x0  }
0x3b: {  	[sflag:s6] =	ssyncadd.s32 @!p2 $0xFFFFF800  }
0x3c: {  	_ =	swait.ge [sflag:s25], $0x1000  }
0x3d: {  	[sflag:s25] =	ssyncset.done $0x0  }
0x3e: {  	s8 =	simm.s32 $0x9E80;
	[sflag:s25] =	ssyncadd.s32 $0xFFFFF000  }
0x3f: {  	v0 =	vld [tilespmem:s8+$0x70];
	_ =	sdelay $0x1  }
0x40: {  	v2 =	vld [tilespmem:s8+$0xFFFFFFB0]  }
0x41: {  	v1 =	vld [tilespmem:s8+$0xFFFFFFA0];
	_ =	sdelay $0x1  }
0x42: {  	s6 =	simm.s32 $0xCF00;
	v4 =	vld [tilespmem:s8+$0x60];
	v3 =	vand.u32 $0xFFFF0000, v0  }
0x43: {  	v5 =	vld [tilespmem:s8+$0xFFFFFFC0];
	v0 =	vshll.u32 v0, $0x10;
	[tilespmem:s6+$0xF0] =	vst v3  }
0x44: {  	v6 =	vshll.u32 v2, $0x10;
	[tilespmem:s6+$0xE0] =	vst v0  }
0x45: {  	v3 =	vshll.u32 v1, $0x10;
	v0 =	vld [tilespmem:s8+$0xFFFFFFD0];
	[tilespmem:s6+$0xFFFFFF60] =	vst v6  }
0x46: {  	v1 =	vand.u32 $0xFFFF0000, v1;
	[tilespmem:s6+$0xFFFFFF40] =	vst v3  }
0x47: {  	v3 =	vld [tilespmem:s8+$0xFFFFFF90];
	[tilespmem:s6+$0xFFFFFF50] =	vst v1;
	v1 =	vand.u32 $0xFFFF0000, v2  }
0x48: {  	v2 =	vshll.u32 v5, $0x10;
	[tilespmem:s6+$0xFFFFFF70] =	vst v1  }
0x49: {  	v5 =	vand.u32 $0xFFFF0000, v5;
	v1 =	vld [tilespmem:s8+$0xFFFFFFE0];
	[tilespmem:s6+$0xFFFFFF80] =	vst v2  }
0x4a: {  	[tilespmem:s6+$0xFFFFFF90] =	vst v5;
	v6 =	vshll.u32 v0, $0x10  }
0x4b: {  	v2 =	vld [tilespmem:s8+$0xFFFFFFF0];
	v0 =	vand.u32 $0xFFFF0000, v0;
	[tilespmem:s6+$0xFFFFFFA0] =	vst v6  }
0x4c: {  	v5 =	vshll.u32 v3, $0x10;
	[tilespmem:s6+$0xFFFFFFB0] =	vst v0  }
0x4d: {  	v6 =	vld [tilespmem:s8+$0xFFFFFF80];
	v3 =	vand.u32 $0xFFFF0000, v3;
	[tilespmem:s6+$0xFFFFFF20] =	vst v5  }
0x4e: {  	[tilespmem:s6+$0xFFFFFF30] =	vst v3;
	v3 =	vshll.u32 v1, $0x10  }
0x4f: {  	v0 =	vld [tilespmem:s8+$0x0];
	v1 =	vand.u32 $0xFFFF0000, v1;
	[tilespmem:s6+$0xFFFFFFC0] =	vst v3  }
0x50: {  	v3 =	vshll.u32 v2, $0x10;
	[tilespmem:s6+$0xFFFFFFD0] =	vst v1  }
0x51: {  	v1 =	vld [tilespmem:s8+$0x10];
	v2 =	vand.u32 $0xFFFF0000, v2;
	[tilespmem:s6+$0xFFFFFFE0] =	vst v3  }
0x52: {  	[tilespmem:s6+$0xFFFFFFF0] =	vst v2;
	v5 =	vshll.u32 v6, $0x10  }
0x53: {  	v2 =	vld [tilespmem:s8+$0x30];
	v3 =	vand.u32 $0xFFFF0000, v6;
	[tilespmem:s6+$0xFFFFFF00] =	vst v5  }
0x54: {  	v5 =	vld [tilespmem:s8+$0x20];
	[tilespmem:s6+$0xFFFFFF10] =	vst v3;
	v3 =	vshll.u32 v0, $0x10  }
0x55: {  	v0 =	vand.u32 $0xFFFF0000, v0;
	[tilespmem:s6+$0x0] =	vst v3  }
0x56: {  	v7 =	vld [tilespmem:s8+$0x50];
	v6 =	vshll.u32 v1, $0x10;
	[tilespmem:s6+$0x10] =	vst v0  }
0x57: {  	v3 =	vld [tilespmem:s8+$0x40];
	v0 =	vand.u32 $0xFFFF0000, v1;
	[tilespmem:s6+$0x20] =	vst v6  }
0x58: {  	[tilespmem:s6+$0x30] =	vst v0;
	v6 =	vshll.u32 v2, $0x10  }
0x59: {  	[tilespmem:s6+$0x60] =	vst v6;
	v1 =	vshll.u32 v5, $0x10  }
0x5a: {  	v8 =	vand.u32 $0xFFFF0000, v2;
	v0 =	vand.u32 $0xFFFF0000, v5;
	[tilespmem:s6+$0x40] =	vst v1  }
0x5b: {  	v2 =	vand.u32 $0xFFFF0000, v7;
	v1 =	vshll.u32 v4, $0x10;
	[tilespmem:s6+$0x50] =	vst v0;
	v0 =	vand.u32 $0xFFFF0000, v4  }
0x5c: {  	s7 =	simm.s32 $0x0;
	s8 =	simm.s32 $0x9F80;
	[tilespmem:s6+$0x70] =	vst v8;
	v5 =	vshll.u32 v3, $0x10;
	v3 =	vand.u32 $0xFFFF0000, v3;
	v4 =	vshll.u32 v7, $0x10  }
.LBB2_3:
0x5d: {  	v6 =	vld [tilespmem:s8+$0x70];
	s7 =	sadd.s32 $0x8, s7;
	[tilespmem:s6+$0x80] =	vst v5  }
0x5e: {  	v5 =	vld [tilespmem:s8+$0xFFFFFF90];
	p3 =	slt.u32 s7, $0x78;
	[tilespmem:s6+$0x90] =	vst v3  }
0x5f: {  	v3 =	vld [tilespmem:s8+$0xFFFFFFA0];
	[tilespmem:s6+$0xA0] =	vst v4  }
0x60: {  	v4 =	vld [tilespmem:s8+$0xFFFFFFB0];
	[tilespmem:s6+$0xB0] =	vst v2  }
0x61: {  	v2 =	vld [tilespmem:s8+$0xFFFFFFC0];
	[tilespmem:s6+$0xC0] =	vst v1  }
0x62: {  	v1 =	vld [tilespmem:s8+$0xFFFFFFD0];
	v7 =	vshll.u32 v6, $0x10;
	v6 =	vand.u32 $0xFFFF0000, v6;
	[tilespmem:s6+$0xD0] =	vst v0;
	s6 =	sadd.s32 $0x200, s6  }
0x63: {  	v8 =	vshll.u32 v5, $0x10;
	v5 =	vand.u32 $0xFFFF0000, v5;
	v0 =	vld [tilespmem:s8+$0x60];
	[tilespmem:s6+$0xF0] =	vst v6  }
0x64: {  	v6 =	vshll.u32 v3, $0x10;
	v3 =	vand.u32 $0xFFFF0000, v3;
	v9 =	vld [tilespmem:s8+$0xFFFFFFE0];
	[tilespmem:s6+$0xE0] =	vst v7  }
0x65: {  	[tilespmem:s6+$0xFFFFFF40] =	vst v6;
	v6 =	vshll.u32 v4, $0x10;
	v4 =	vand.u32 $0xFFFF0000, v4;
	v7 =	vld [tilespmem:s8+$0xFFFFFFF0]  }
0x66: {  	[tilespmem:s6+$0xFFFFFF50] =	vst v3;
	v3 =	vshll.u32 v2, $0x10;
	v2 =	vand.u32 $0xFFFF0000, v2;
	v10 =	vld [tilespmem:s8+$0x0]  }
0x67: {  	[tilespmem:s6+$0xFFFFFF60] =	vst v6;
	v6 =	vshll.u32 v1, $0x10;
	v11 =	vand.u32 $0xFFFF0000, v1;
	v12 =	vld [tilespmem:s8+$0x10]  }
0x68: {  	[tilespmem:s6+$0xFFFFFF70] =	vst v4;
	v4 =	vld [tilespmem:s8+$0x20];
	v1 =	vshll.u32 v0, $0x10;
	v0 =	vand.u32 $0xFFFF0000, v0  }
0x69: {  	[tilespmem:s6+$0xFFFFFF80] =	vst v3;
	v3 =	vshll.u32 v9, $0x10;
	v9 =	vand.u32 $0xFFFF0000, v9;
	v13 =	vld [tilespmem:s8+$0x30]  }
0x6a: {  	[tilespmem:s6+$0xFFFFFF90] =	vst v2;
	v14 =	vshll.u32 v7, $0x10;
	v7 =	vand.u32 $0xFFFF0000, v7;
	v2 =	vld [tilespmem:s8+$0x40]  }
0x6b: {  	[tilespmem:s6+$0xFFFFFFA0] =	vst v6;
	v6 =	vshll.u32 v10, $0x10;
	v10 =	vand.u32 $0xFFFF0000, v10;
	v15 =	vld [tilespmem:s8+$0x50]  }
0x6c: {  	v16 =	vld [tilespmem:s8+$0xFFFFFF80];
	[tilespmem:s6+$0xFFFFFF20] =	vst v8;
	v8 =	vshll.u32 v12, $0x10;
	v12 =	vand.u32 $0xFFFF0000, v12  }
0x6d: {  	[tilespmem:s6+$0xFFFFFF30] =	vst v5;
	v17 =	vshll.u32 v4, $0x10;
	v18 =	vand.u32 $0xFFFF0000, v4  }
0x6e: {  	[tilespmem:s6+$0xFFFFFFB0] =	vst v11;
	v11 =	vshll.u32 v13, $0x10;
	v13 =	vand.u32 $0xFFFF0000, v13  }
0x6f: {  	[tilespmem:s6+$0xFFFFFFC0] =	vst v3;
	v5 =	vshll.u32 v2, $0x10;
	v3 =	vand.u32 $0xFFFF0000, v2  }
0x70: {  	[tilespmem:s6+$0xFFFFFFD0] =	vst v9;
	v4 =	vshll.u32 v15, $0x10;
	v2 =	vand.u32 $0xFFFF0000, v15  }
0x71: {  	v9 =	vshll.u32 v16, $0x10;
	v15 =	vand.u32 $0xFFFF0000, v16;
	[tilespmem:s6+$0xFFFFFFE0] =	vst v14  }
0x72: {  	[tilespmem:s6+$0xFFFFFF00] =	vst v9  }
0x73: {  	[tilespmem:s6+$0xFFFFFF10] =	vst v15  }
0x74: {  	[tilespmem:s6+$0xFFFFFFF0] =	vst v7  }
0x75: {  	[tilespmem:s6+$0x0] =	vst v6  }
0x76: {  	[tilespmem:s6+$0x10] =	vst v10  }
0x77: {  	[tilespmem:s6+$0x20] =	vst v8  }
.Ltmp0:
0x78: {  	[tilespmem:s6+$0x30] =	vst v12;
	(pc) =	sbr.rel @p3 .LBB2_3-.Ltmp0, $4  }
0x79: {  	[tilespmem:s6+$0x40] =	vst v17  }
0x7a: {  	[tilespmem:s6+$0x50] =	vst v18  }
0x7b: {  	[tilespmem:s6+$0x60] =	vst v11  }
0x7c: {  	s8 =	sadd.s32 $0x100, s8;
	[tilespmem:s6+$0x70] =	vst v13  }
0x7d: {  	[tilespmem:s6+$0x80] =	vst v5  }
0x7e: {  	[tilespmem:s6+$0x90] =	vst v3  }
0x7f: {  	[tilespmem:s6+$0xA0] =	vst v4  }
0x80: {  	[tilespmem:s6+$0xB0] =	vst v2  }
0x81: {  	[tilespmem:s6+$0xC0] =	vst v1;
	s30 =	sshra.s32 s30, $0x2  }
0x82: {  	[tilespmem:s6+$0xD0] =	vst v0;
	s31 =	sadd.s32 $0x1, s31;
	s7 =	sadd.s32 $0x4F00, s30  }
0x83: {  	[spmem:s1] =	stream.indirect.scatter.add.f32 [tilespmem:s26], [sflag:$0x4], $0x40, s7, s21, $0xb8;
	[tilespmem:$0x1BB80] =	vst v63  }
0x84: {  	s7 =	sand.u32 $0x1, s31  }
0x85: {  	_ =	swait.ge [sflag:s17], $0x2000;
	p3 =	sne.s32 s7, s4  }
0x86: {  	[sflag:s17] =	ssyncset.done $0x0;
	s6 =	sshll.u32 @!p3 s31, $0x7  }
0x87: {  	s8 =	sadd.s32 $0x180, s30;
	[sflag:s17] =	ssyncadd.s32 $0xFFFFE000;
	s6 =	sand.u32 @!p3 $0x3FFFFF80, s6  }
0x88: {  	[tilespmem:s22], [sflag:$0x1] =	stream.indirect.gather [hbm4b:s15+s21], $0x20, s8, s21, $0xb8;
	[tilespmem:$0x1BB80] =	vst v63  }
0x89: {  	s7 =	simm.s32 @!p3 $0x80;
	s6 =	sadd.s32 @!p3 $0x4F00, s6;
	s8 =	simm.s32 @!p3 $0xEE00  }
0x8a: {  	[spmem:s3] =	stream.indirect.scatter.add.f32 @!p3 [tilespmem:s8], [sflag:$0x4], $0x10, s6, s7, $0xb8;
	[tilespmem:$0x1BB80] =	vst v63  }
0x8b: {  	s6 =	simm.s32 @!p3 $0x4  }
0x8c: {  	_ =	swait.ge @!p3 [sflag:s6], $0x800  }
0x8d: {  	[sflag:s6] =	ssyncset.done @!p3 $0x0  }
0x8e: {  	[sflag:s6] =	ssyncadd.s32 @!p3 $0xFFFFF800  }
0x8f: {  	_ =	swait.ge [sflag:s28], $0x1000  }
0x90: {  	[sflag:s28] =	ssyncset.done $0x0  }
0x91: {  	s8 =	simm.s32 $0xAE80;
	[sflag:s28] =	ssyncadd.s32 $0xFFFFF000  }
0x92: {  	v0 =	vld [tilespmem:s8+$0x70];
	_ =	sdelay $0x1  }
0x93: {  	v2 =	vld [tilespmem:s8+$0xFFFFFFB0]  }
0x94: {  	v1 =	vld [tilespmem:s8+$0xFFFFFFA0];
	_ =	sdelay $0x1  }
0x95: {  	s6 =	simm.s32 $0xCF00;
	v4 =	vld [tilespmem:s8+$0x60];
	v3 =	vand.u32 $0xFFFF0000, v0  }
0x96: {  	v5 =	vld [tilespmem:s8+$0xFFFFFFC0];
	v0 =	vshll.u32 v0, $0x10;
	[tilespmem:s6+$0xF0] =	vst v3  }
0x97: {  	v6 =	vshll.u32 v2, $0x10;
	[tilespmem:s6+$0xE0] =	vst v0  }
0x98: {  	v3 =	vshll.u32 v1, $0x10;
	v0 =	vld [tilespmem:s8+$0xFFFFFFD0];
	[tilespmem:s6+$0xFFFFFF60] =	vst v6  }
0x99: {  	v1 =	vand.u32 $0xFFFF0000, v1;
	[tilespmem:s6+$0xFFFFFF40] =	vst v3  }
0x9a: {  	v3 =	vld [tilespmem:s8+$0xFFFFFF90];
	[tilespmem:s6+$0xFFFFFF50] =	vst v1;
	v1 =	vand.u32 $0xFFFF0000, v2  }
0x9b: {  	v2 =	vshll.u32 v5, $0x10;
	[tilespmem:s6+$0xFFFFFF70] =	vst v1  }
0x9c: {  	v5 =	vand.u32 $0xFFFF0000, v5;
	v1 =	vld [tilespmem:s8+$0xFFFFFFE0];
	[tilespmem:s6+$0xFFFFFF80] =	vst v2  }
0x9d: {  	[tilespmem:s6+$0xFFFFFF90] =	vst v5;
	v6 =	vshll.u32 v0, $0x10  }
0x9e: {  	v2 =	vld [tilespmem:s8+$0xFFFFFFF0];
	v0 =	vand.u32 $0xFFFF0000, v0;
	[tilespmem:s6+$0xFFFFFFA0] =	vst v6  }
0x9f: {  	v5 =	vshll.u32 v3, $0x10;
	[tilespmem:s6+$0xFFFFFFB0] =	vst v0  }
0xa0: {  	v6 =	vld [tilespmem:s8+$0xFFFFFF80];
	v3 =	vand.u32 $0xFFFF0000, v3;
	[tilespmem:s6+$0xFFFFFF20] =	vst v5  }
0xa1: {  	[tilespmem:s6+$0xFFFFFF30] =	vst v3;
	v3 =	vshll.u32 v1, $0x10  }
0xa2: {  	v0 =	vld [tilespmem:s8+$0x0];
	v1 =	vand.u32 $0xFFFF0000, v1;
	[tilespmem:s6+$0xFFFFFFC0] =	vst v3  }
0xa3: {  	v3 =	vshll.u32 v2, $0x10;
	[tilespmem:s6+$0xFFFFFFD0] =	vst v1  }
0xa4: {  	v1 =	vld [tilespmem:s8+$0x10];
	v2 =	vand.u32 $0xFFFF0000, v2;
	[tilespmem:s6+$0xFFFFFFE0] =	vst v3  }
0xa5: {  	[tilespmem:s6+$0xFFFFFFF0] =	vst v2;
	v5 =	vshll.u32 v6, $0x10  }
0xa6: {  	v2 =	vld [tilespmem:s8+$0x30];
	v3 =	vand.u32 $0xFFFF0000, v6;
	[tilespmem:s6+$0xFFFFFF00] =	vst v5  }
0xa7: {  	v5 =	vld [tilespmem:s8+$0x20];
	[tilespmem:s6+$0xFFFFFF10] =	vst v3;
	v3 =	vshll.u32 v0, $0x10  }
0xa8: {  	v0 =	vand.u32 $0xFFFF0000, v0;
	[tilespmem:s6+$0x0] =	vst v3  }
0xa9: {  	v7 =	vld [tilespmem:s8+$0x50];
	v6 =	vshll.u32 v1, $0x10;
	[tilespmem:s6+$0x10] =	vst v0  }
0xaa: {  	v3 =	vld [tilespmem:s8+$0x40];
	v0 =	vand.u32 $0xFFFF0000, v1;
	[tilespmem:s6+$0x20] =	vst v6  }
0xab: {  	[tilespmem:s6+$0x30] =	vst v0;
	v6 =	vshll.u32 v2, $0x10  }
0xac: {  	[tilespmem:s6+$0x60] =	vst v6;
	v1 =	vshll.u32 v5, $0x10  }
0xad: {  	v8 =	vand.u32 $0xFFFF0000, v2;
	v0 =	vand.u32 $0xFFFF0000, v5;
	[tilespmem:s6+$0x40] =	vst v1  }
0xae: {  	v2 =	vand.u32 $0xFFFF0000, v7;
	v1 =	vshll.u32 v4, $0x10;
	[tilespmem:s6+$0x50] =	vst v0;
	v0 =	vand.u32 $0xFFFF0000, v4  }
0xaf: {  	s7 =	simm.s32 $0x0;
	s8 =	simm.s32 $0xAF80;
	[tilespmem:s6+$0x70] =	vst v8;
	v5 =	vshll.u32 v3, $0x10;
	v3 =	vand.u32 $0xFFFF0000, v3;
	v4 =	vshll.u32 v7, $0x10  }
.LBB2_5:
0xb0: {  	v6 =	vld [tilespmem:s8+$0x70];
	s7 =	sadd.s32 $0x8, s7;
	[tilespmem:s6+$0x80] =	vst v5  }
0xb1: {  	v5 =	vld [tilespmem:s8+$0xFFFFFF90];
	p3 =	slt.u32 s7, $0x78;
	[tilespmem:s6+$0x90] =	vst v3  }
0xb2: {  	v3 =	vld [tilespmem:s8+$0xFFFFFFA0];
	[tilespmem:s6+$0xA0] =	vst v4  }
0xb3: {  	v4 =	vld [tilespmem:s8+$0xFFFFFFB0];
	[tilespmem:s6+$0xB0] =	vst v2  }
0xb4: {  	v2 =	vld [tilespmem:s8+$0xFFFFFFC0];
	[tilespmem:s6+$0xC0] =	vst v1  }
0xb5: {  	v1 =	vld [tilespmem:s8+$0xFFFFFFD0];
	v7 =	vshll.u32 v6, $0x10;
	v6 =	vand.u32 $0xFFFF0000, v6;
	[tilespmem:s6+$0xD0] =	vst v0;
	s6 =	sadd.s32 $0x200, s6  }
0xb6: {  	v8 =	vshll.u32 v5, $0x10;
	v5 =	vand.u32 $0xFFFF0000, v5;
	v0 =	vld [tilespmem:s8+$0x60];
	[tilespmem:s6+$0xF0] =	vst v6  }
0xb7: {  	v6 =	vshll.u32 v3, $0x10;
	v3 =	vand.u32 $0xFFFF0000, v3;
	v9 =	vld [tilespmem:s8+$0xFFFFFFE0];
	[tilespmem:s6+$0xE0] =	vst v7  }
0xb8: {  	[tilespmem:s6+$0xFFFFFF40] =	vst v6;
	v6 =	vshll.u32 v4, $0x10;
	v4 =	vand.u32 $0xFFFF0000, v4;
	v7 =	vld [tilespmem:s8+$0xFFFFFFF0]  }
0xb9: {  	[tilespmem:s6+$0xFFFFFF50] =	vst v3;
	v3 =	vshll.u32 v2, $0x10;
	v2 =	vand.u32 $0xFFFF0000, v2;
	v10 =	vld [tilespmem:s8+$0x0]  }
0xba: {  	[tilespmem:s6+$0xFFFFFF60] =	vst v6;
	v6 =	vshll.u32 v1, $0x10;
	v11 =	vand.u32 $0xFFFF0000, v1;
	v12 =	vld [tilespmem:s8+$0x10]  }
0xbb: {  	[tilespmem:s6+$0xFFFFFF70] =	vst v4;
	v4 =	vld [tilespmem:s8+$0x20];
	v1 =	vshll.u32 v0, $0x10;
	v0 =	vand.u32 $0xFFFF0000, v0  }
0xbc: {  	[tilespmem:s6+$0xFFFFFF80] =	vst v3;
	v3 =	vshll.u32 v9, $0x10;
	v9 =	vand.u32 $0xFFFF0000, v9;
	v13 =	vld [tilespmem:s8+$0x30]  }
0xbd: {  	[tilespmem:s6+$0xFFFFFF90] =	vst v2;
	v14 =	vshll.u32 v7, $0x10;
	v7 =	vand.u32 $0xFFFF0000, v7;
	v2 =	vld [tilespmem:s8+$0x40]  }
0xbe: {  	[tilespmem:s6+$0xFFFFFFA0] =	vst v6;
	v6 =	vshll.u32 v10, $0x10;
	v10 =	vand.u32 $0xFFFF0000, v10;
	v15 =	vld [tilespmem:s8+$0x50]  }
0xbf: {  	v16 =	vld [tilespmem:s8+$0xFFFFFF80];
	[tilespmem:s6+$0xFFFFFF20] =	vst v8;
	v8 =	vshll.u32 v12, $0x10;
	v12 =	vand.u32 $0xFFFF0000, v12  }
0xc0: {  	[tilespmem:s6+$0xFFFFFF30] =	vst v5;
	v17 =	vshll.u32 v4, $0x10;
	v18 =	vand.u32 $0xFFFF0000, v4  }
0xc1: {  	[tilespmem:s6+$0xFFFFFFB0] =	vst v11;
	v11 =	vshll.u32 v13, $0x10;
	v13 =	vand.u32 $0xFFFF0000, v13  }
0xc2: {  	[tilespmem:s6+$0xFFFFFFC0] =	vst v3;
	v5 =	vshll.u32 v2, $0x10;
	v3 =	vand.u32 $0xFFFF0000, v2  }
0xc3: {  	[tilespmem:s6+$0xFFFFFFD0] =	vst v9;
	v4 =	vshll.u32 v15, $0x10;
	v2 =	vand.u32 $0xFFFF0000, v15  }
0xc4: {  	v9 =	vshll.u32 v16, $0x10;
	v15 =	vand.u32 $0xFFFF0000, v16;
	[tilespmem:s6+$0xFFFFFFE0] =	vst v14  }
0xc5: {  	[tilespmem:s6+$0xFFFFFF00] =	vst v9  }
0xc6: {  	[tilespmem:s6+$0xFFFFFF10] =	vst v15  }
0xc7: {  	[tilespmem:s6+$0xFFFFFFF0] =	vst v7  }
0xc8: {  	[tilespmem:s6+$0x0] =	vst v6  }
0xc9: {  	[tilespmem:s6+$0x10] =	vst v10  }
0xca: {  	[tilespmem:s6+$0x20] =	vst v8  }
.Ltmp1:
0xcb: {  	[tilespmem:s6+$0x30] =	vst v12;
	(pc) =	sbr.rel @p3 .LBB2_5-.Ltmp1, $4  }
0xcc: {  	[tilespmem:s6+$0x40] =	vst v17  }
0xcd: {  	[tilespmem:s6+$0x50] =	vst v18  }
0xce: {  	[tilespmem:s6+$0x60] =	vst v11  }
0xcf: {  	s8 =	sadd.s32 $0x100, s8;
	[tilespmem:s6+$0x70] =	vst v13  }
0xd0: {  	[tilespmem:s6+$0x80] =	vst v5  }
0xd1: {  	[tilespmem:s6+$0x90] =	vst v3  }
0xd2: {  	[tilespmem:s6+$0xA0] =	vst v4  }
0xd3: {  	[tilespmem:s6+$0xB0] =	vst v2;
	s7 =	sshll.u32 s31, $0x7  }
0xd4: {  	[tilespmem:s6+$0xC0] =	vst v1;
	s7 =	sand.u32 $0x3FFFFF80, s7  }
0xd5: {  	[tilespmem:s6+$0xD0] =	vst v0;
	s8 =	sadd.s32 $0x4F00, s7  }
0xd6: {  	[spmem:s1] =	stream.indirect.scatter.add.f32 [tilespmem:s26], [sflag:$0x4], $0x40, s8, s21, $0xb8;
	[tilespmem:$0x1BB80] =	vst v63  }
0xd7: {  	_ =	swait.ge [sflag:s17], $0x2000  }
0xd8: {  	[sflag:s17] =	ssyncset.done $0x0  }
0xd9: {  	s30 =	sadd.s32 $0x200, s30;
	s6 =	sshra.s32 @!p2 s20, $0x2;
	[sflag:s17] =	ssyncadd.s32 $0xFFFFE000  }
0xda: {  	[tilespmem:s23], [sflag:$0x2] =	stream.indirect.gather [hbm4b:s15+s21], $0x20, s30, s21, $0xb8;
	[tilespmem:$0x1BB80] =	vst v63  }
0xdb: {  	s6 =	sadd.s32 @!p2 $0x4F00, s6;
	s7 =	simm.s32 @!p2 $0x80;
	s8 =	simm.s32 @!p2 $0xEE00  }
0xdc: {  	[spmem:s3] =	stream.indirect.scatter.add.f32 @!p2 [tilespmem:s8], [sflag:$0x4], $0x10, s6, s7, $0xb8;
	[tilespmem:$0x1BB80] =	vst v63  }
0xdd: {  	s6 =	simm.s32 @!p2 $0x4  }
0xde: {  	_ =	swait.ge @!p2 [sflag:s6], $0x800  }
0xdf: {  	[sflag:s6] =	ssyncset.done @!p2 $0x0  }
0xe0: {  	[sflag:s6] =	ssyncadd.s32 @!p2 $0xFFFFF800  }
0xe1: {  	_ =	swait.ge [sflag:s29], $0x1000  }
0xe2: {  	[sflag:s29] =	ssyncset.done $0x0  }
0xe3: {  	s31 =	simm.s32 $0xBE80;
	[sflag:s29] =	ssyncadd.s32 $0xFFFFF000  }
0xe4: {  	v0 =	vld [tilespmem:s31+$0x70];
	_ =	sdelay $0x1  }
0xe5: {  	v2 =	vld [tilespmem:s31+$0xFFFFFFB0]  }
0xe6: {  	v1 =	vld [tilespmem:s31+$0xFFFFFFA0];
	_ =	sdelay $0x1  }
0xe7: {  	s6 =	simm.s32 $0xCF00;
	v4 =	vld [tilespmem:s31+$0x60];
	v3 =	vand.u32 $0xFFFF0000, v0  }
0xe8: {  	v5 =	vld [tilespmem:s31+$0xFFFFFFC0];
	v0 =	vshll.u32 v0, $0x10;
	[tilespmem:s6+$0xF0] =	vst v3  }
0xe9: {  	v6 =	vshll.u32 v2, $0x10;
	[tilespmem:s6+$0xE0] =	vst v0  }
0xea: {  	v3 =	vshll.u32 v1, $0x10;
	v0 =	vld [tilespmem:s31+$0xFFFFFFD0];
	[tilespmem:s6+$0xFFFFFF60] =	vst v6  }
0xeb: {  	v1 =	vand.u32 $0xFFFF0000, v1;
	[tilespmem:s6+$0xFFFFFF40] =	vst v3  }
0xec: {  	v3 =	vld [tilespmem:s31+$0xFFFFFF90];
	[tilespmem:s6+$0xFFFFFF50] =	vst v1;
	v1 =	vand.u32 $0xFFFF0000, v2  }
0xed: {  	v2 =	vshll.u32 v5, $0x10;
	[tilespmem:s6+$0xFFFFFF70] =	vst v1  }
0xee: {  	v5 =	vand.u32 $0xFFFF0000, v5;
	v1 =	vld [tilespmem:s31+$0xFFFFFFE0];
	[tilespmem:s6+$0xFFFFFF80] =	vst v2  }
0xef: {  	[tilespmem:s6+$0xFFFFFF90] =	vst v5;
	v6 =	vshll.u32 v0, $0x10  }
0xf0: {  	v2 =	vld [tilespmem:s31+$0xFFFFFFF0];
	v0 =	vand.u32 $0xFFFF0000, v0;
	[tilespmem:s6+$0xFFFFFFA0] =	vst v6  }
0xf1: {  	v5 =	vshll.u32 v3, $0x10;
	[tilespmem:s6+$0xFFFFFFB0] =	vst v0  }
0xf2: {  	v6 =	vld [tilespmem:s31+$0xFFFFFF80];
	v3 =	vand.u32 $0xFFFF0000, v3;
	[tilespmem:s6+$0xFFFFFF20] =	vst v5  }
0xf3: {  	[tilespmem:s6+$0xFFFFFF30] =	vst v3;
	v3 =	vshll.u32 v1, $0x10  }
0xf4: {  	v0 =	vld [tilespmem:s31+$0x0];
	v1 =	vand.u32 $0xFFFF0000, v1;
	[tilespmem:s6+$0xFFFFFFC0] =	vst v3  }
0xf5: {  	v3 =	vshll.u32 v2, $0x10;
	[tilespmem:s6+$0xFFFFFFD0] =	vst v1  }
0xf6: {  	v1 =	vld [tilespmem:s31+$0x10];
	v2 =	vand.u32 $0xFFFF0000, v2;
	[tilespmem:s6+$0xFFFFFFE0] =	vst v3  }
0xf7: {  	[tilespmem:s6+$0xFFFFFFF0] =	vst v2;
	v5 =	vshll.u32 v6, $0x10  }
0xf8: {  	v2 =	vld [tilespmem:s31+$0x30];
	v3 =	vand.u32 $0xFFFF0000, v6;
	[tilespmem:s6+$0xFFFFFF00] =	vst v5  }
0xf9: {  	v5 =	vld [tilespmem:s31+$0x20];
	[tilespmem:s6+$0xFFFFFF10] =	vst v3;
	v3 =	vshll.u32 v0, $0x10  }
0xfa: {  	v0 =	vand.u32 $0xFFFF0000, v0;
	[tilespmem:s6+$0x0] =	vst v3  }
0xfb: {  	v7 =	vld [tilespmem:s31+$0x50];
	v6 =	vshll.u32 v1, $0x10;
	[tilespmem:s6+$0x10] =	vst v0  }
0xfc: {  	v3 =	vld [tilespmem:s31+$0x40];
	v0 =	vand.u32 $0xFFFF0000, v1;
	[tilespmem:s6+$0x20] =	vst v6  }
0xfd: {  	[tilespmem:s6+$0x30] =	vst v0;
	v6 =	vshll.u32 v2, $0x10  }
0xfe: {  	[tilespmem:s6+$0x60] =	vst v6;
	v1 =	vshll.u32 v5, $0x10  }
0xff: {  	v8 =	vand.u32 $0xFFFF0000, v2;
	v0 =	vand.u32 $0xFFFF0000, v5;
	[tilespmem:s6+$0x40] =	vst v1  }
0x100: {  	v2 =	vand.u32 $0xFFFF0000, v7;
	v1 =	vshll.u32 v4, $0x10;
	[tilespmem:s6+$0x50] =	vst v0;
	v0 =	vand.u32 $0xFFFF0000, v4  }
0x101: {  	s7 =	simm.s32 $0x0;
	s8 =	simm.s32 $0xBF80;
	[tilespmem:s6+$0x70] =	vst v8;
	v5 =	vshll.u32 v3, $0x10;
	v3 =	vand.u32 $0xFFFF0000, v3;
	v4 =	vshll.u32 v7, $0x10  }
.LBB2_7:
0x102: {  	v6 =	vld [tilespmem:s8+$0x70];
	s7 =	sadd.s32 $0x8, s7;
	[tilespmem:s6+$0x80] =	vst v5  }
0x103: {  	v5 =	vld [tilespmem:s8+$0xFFFFFF90];
	p2 =	slt.u32 s7, $0x78;
	[tilespmem:s6+$0x90] =	vst v3  }
0x104: {  	v3 =	vld [tilespmem:s8+$0xFFFFFFA0];
	[tilespmem:s6+$0xA0] =	vst v4  }
0x105: {  	v4 =	vld [tilespmem:s8+$0xFFFFFFB0];
	[tilespmem:s6+$0xB0] =	vst v2  }
0x106: {  	v2 =	vld [tilespmem:s8+$0xFFFFFFC0];
	[tilespmem:s6+$0xC0] =	vst v1  }
0x107: {  	v1 =	vld [tilespmem:s8+$0xFFFFFFD0];
	v7 =	vshll.u32 v6, $0x10;
	v6 =	vand.u32 $0xFFFF0000, v6;
	[tilespmem:s6+$0xD0] =	vst v0;
	s6 =	sadd.s32 $0x200, s6  }
0x108: {  	v8 =	vshll.u32 v5, $0x10;
	v5 =	vand.u32 $0xFFFF0000, v5;
	v0 =	vld [tilespmem:s8+$0x60];
	[tilespmem:s6+$0xF0] =	vst v6  }
0x109: {  	v6 =	vshll.u32 v3, $0x10;
	v3 =	vand.u32 $0xFFFF0000, v3;
	v9 =	vld [tilespmem:s8+$0xFFFFFFE0];
	[tilespmem:s6+$0xE0] =	vst v7  }
0x10a: {  	[tilespmem:s6+$0xFFFFFF40] =	vst v6;
	v6 =	vshll.u32 v4, $0x10;
	v4 =	vand.u32 $0xFFFF0000, v4;
	v7 =	vld [tilespmem:s8+$0xFFFFFFF0]  }
0x10b: {  	[tilespmem:s6+$0xFFFFFF50] =	vst v3;
	v3 =	vshll.u32 v2, $0x10;
	v2 =	vand.u32 $0xFFFF0000, v2;
	v10 =	vld [tilespmem:s8+$0x0]  }
0x10c: {  	[tilespmem:s6+$0xFFFFFF60] =	vst v6;
	v6 =	vshll.u32 v1, $0x10;
	v11 =	vand.u32 $0xFFFF0000, v1;
	v12 =	vld [tilespmem:s8+$0x10]  }
0x10d: {  	[tilespmem:s6+$0xFFFFFF70] =	vst v4;
	v4 =	vld [tilespmem:s8+$0x20];
	v1 =	vshll.u32 v0, $0x10;
	v0 =	vand.u32 $0xFFFF0000, v0  }
0x10e: {  	[tilespmem:s6+$0xFFFFFF80] =	vst v3;
	v3 =	vshll.u32 v9, $0x10;
	v9 =	vand.u32 $0xFFFF0000, v9;
	v13 =	vld [tilespmem:s8+$0x30]  }
0x10f: {  	[tilespmem:s6+$0xFFFFFF90] =	vst v2;
	v14 =	vshll.u32 v7, $0x10;
	v7 =	vand.u32 $0xFFFF0000, v7;
	v2 =	vld [tilespmem:s8+$0x40]  }
0x110: {  	[tilespmem:s6+$0xFFFFFFA0] =	vst v6;
	v6 =	vshll.u32 v10, $0x10;
	v10 =	vand.u32 $0xFFFF0000, v10;
	v15 =	vld [tilespmem:s8+$0x50]  }
0x111: {  	v16 =	vld [tilespmem:s8+$0xFFFFFF80];
	[tilespmem:s6+$0xFFFFFF20] =	vst v8;
	v8 =	vshll.u32 v12, $0x10;
	v12 =	vand.u32 $0xFFFF0000, v12  }
0x112: {  	[tilespmem:s6+$0xFFFFFF30] =	vst v5;
	v17 =	vshll.u32 v4, $0x10;
	v18 =	vand.u32 $0xFFFF0000, v4  }
0x113: {  	[tilespmem:s6+$0xFFFFFFB0] =	vst v11;
	v11 =	vshll.u32 v13, $0x10;
	v13 =	vand.u32 $0xFFFF0000, v13  }
0x114: {  	[tilespmem:s6+$0xFFFFFFC0] =	vst v3;
	v5 =	vshll.u32 v2, $0x10;
	v3 =	vand.u32 $0xFFFF0000, v2  }
0x115: {  	[tilespmem:s6+$0xFFFFFFD0] =	vst v9;
	v4 =	vshll.u32 v15, $0x10;
	v2 =	vand.u32 $0xFFFF0000, v15  }
0x116: {  	v9 =	vshll.u32 v16, $0x10;
	v15 =	vand.u32 $0xFFFF0000, v16;
	[tilespmem:s6+$0xFFFFFFE0] =	vst v14  }
0x117: {  	[tilespmem:s6+$0xFFFFFF00] =	vst v9  }
0x118: {  	[tilespmem:s6+$0xFFFFFF10] =	vst v15  }
0x119: {  	[tilespmem:s6+$0xFFFFFFF0] =	vst v7  }
0x11a: {  	[tilespmem:s6+$0x0] =	vst v6  }
0x11b: {  	[tilespmem:s6+$0x10] =	vst v10  }
0x11c: {  	[tilespmem:s6+$0x20] =	vst v8  }
.Ltmp2:
0x11d: {  	[tilespmem:s6+$0x30] =	vst v12;
	(pc) =	sbr.rel @p2 .LBB2_7-.Ltmp2, $4  }
0x11e: {  	[tilespmem:s6+$0x40] =	vst v17  }
0x11f: {  	[tilespmem:s6+$0x50] =	vst v18  }
0x120: {  	[tilespmem:s6+$0x60] =	vst v11  }
0x121: {  	s8 =	sadd.s32 $0x100, s8;
	[tilespmem:s6+$0x70] =	vst v13  }
0x122: {  	[tilespmem:s6+$0x80] =	vst v5  }
0x123: {  	[tilespmem:s6+$0x90] =	vst v3  }
0x124: {  	[tilespmem:s6+$0xA0] =	vst v4  }
0x125: {  	[tilespmem:s6+$0xB0] =	vst v2;
	s0 =	sadd.s32 $0x1, s0  }
0x126: {  	[tilespmem:s6+$0xC0] =	vst v1;
	p2 =	sne.s32 s0, $0x34  }
.Ltmp3:
0x127: {  	[tilespmem:s6+$0xD0] =	vst v0;
	s31 =	sadd.s32 $0x4F00, s19;
	(pc) =	sbr.rel @p2 .LBB2_2-.Ltmp3, $4  }
0x128: {  	[spmem:s1] =	stream.indirect.scatter.add.f32 [tilespmem:s26], [sflag:$0x4], $0x40, s31, s21, $0xb8;
	[tilespmem:$0x1BB80] =	vst v63  }
0x129: {  	_ =	swait.ge [sflag:s17], $0x2000  }
0x12a: {  	[sflag:s17] =	ssyncset.done $0x0  }
0x12b: {  	[sflag:s17] =	ssyncadd.s32 $0xFFFFE000  }
0x12c: {  	s0 =	simm.s32 @!p1 $0x80;
	s6 =	simm.s32 @!p1 $0x9D00;
	s7 =	simm.s32 @!p1 $0xEE00  }
0x12d: {  	[spmem:s3] =	stream.indirect.scatter.add.f32 @!p1 [tilespmem:s7], [sflag:$0x4], $0x10, s6, s0, $0xb8;
	[tilespmem:$0x1BB80] =	vst v63  }
0x12e: {  	s0 =	simm.s32 @!p1 $0x4  }
0x12f: {  	_ =	swait.ge @!p1 [sflag:s0], $0x800  }
0x130: {  	[sflag:s0] =	ssyncset.done @!p1 $0x0  }
0x131: {  	[sflag:s0] =	ssyncadd.s32 @!p1 $0xFFFFF800  }
0x132: {  	_ =	swait.ge [sflag:s25], $0x1000  }
0x133: {  	[sflag:s25] =	ssyncset.done $0x0  }
0x134: {  	s31 =	simm.s32 $0x9E80;
	[sflag:s25] =	ssyncadd.s32 $0xFFFFF000  }
0x135: {  	v0 =	vld [tilespmem:s31+$0x70];
	_ =	sdelay $0x1  }
0x136: {  	v2 =	vld [tilespmem:s31+$0xFFFFFFB0]  }
0x137: {  	v1 =	vld [tilespmem:s31+$0xFFFFFFA0];
	_ =	sdelay $0x1  }
0x138: {  	s0 =	simm.s32 $0xCF00;
	v4 =	vld [tilespmem:s31+$0x60];
	v3 =	vand.u32 $0xFFFF0000, v0  }
0x139: {  	v5 =	vld [tilespmem:s31+$0xFFFFFFC0];
	v0 =	vshll.u32 v0, $0x10;
	[tilespmem:s0+$0xF0] =	vst v3  }
0x13a: {  	v6 =	vshll.u32 v2, $0x10;
	[tilespmem:s0+$0xE0] =	vst v0  }
0x13b: {  	v3 =	vshll.u32 v1, $0x10;
	v0 =	vld [tilespmem:s31+$0xFFFFFFD0];
	[tilespmem:s0+$0xFFFFFF60] =	vst v6  }
0x13c: {  	v1 =	vand.u32 $0xFFFF0000, v1;
	[tilespmem:s0+$0xFFFFFF40] =	vst v3  }
0x13d: {  	v3 =	vld [tilespmem:s31+$0xFFFFFF90];
	[tilespmem:s0+$0xFFFFFF50] =	vst v1;
	v1 =	vand.u32 $0xFFFF0000, v2  }
0x13e: {  	v2 =	vshll.u32 v5, $0x10;
	[tilespmem:s0+$0xFFFFFF70] =	vst v1  }
0x13f: {  	v5 =	vand.u32 $0xFFFF0000, v5;
	v1 =	vld [tilespmem:s31+$0xFFFFFFE0];
	[tilespmem:s0+$0xFFFFFF80] =	vst v2  }
0x140: {  	[tilespmem:s0+$0xFFFFFF90] =	vst v5;
	v6 =	vshll.u32 v0, $0x10  }
0x141: {  	v2 =	vld [tilespmem:s31+$0xFFFFFFF0];
	v0 =	vand.u32 $0xFFFF0000, v0;
	[tilespmem:s0+$0xFFFFFFA0] =	vst v6  }
0x142: {  	v5 =	vshll.u32 v3, $0x10;
	[tilespmem:s0+$0xFFFFFFB0] =	vst v0  }
0x143: {  	v6 =	vld [tilespmem:s31+$0xFFFFFF80];
	v3 =	vand.u32 $0xFFFF0000, v3;
	[tilespmem:s0+$0xFFFFFF20] =	vst v5  }
0x144: {  	[tilespmem:s0+$0xFFFFFF30] =	vst v3;
	v3 =	vshll.u32 v1, $0x10  }
0x145: {  	v0 =	vld [tilespmem:s31+$0x0];
	v1 =	vand.u32 $0xFFFF0000, v1;
	[tilespmem:s0+$0xFFFFFFC0] =	vst v3  }
0x146: {  	v3 =	vshll.u32 v2, $0x10;
	[tilespmem:s0+$0xFFFFFFD0] =	vst v1  }
0x147: {  	v1 =	vld [tilespmem:s31+$0x10];
	v2 =	vand.u32 $0xFFFF0000, v2;
	[tilespmem:s0+$0xFFFFFFE0] =	vst v3  }
0x148: {  	[tilespmem:s0+$0xFFFFFFF0] =	vst v2;
	v5 =	vshll.u32 v6, $0x10  }
0x149: {  	v2 =	vld [tilespmem:s31+$0x30];
	v3 =	vand.u32 $0xFFFF0000, v6;
	[tilespmem:s0+$0xFFFFFF00] =	vst v5  }
0x14a: {  	v5 =	vld [tilespmem:s31+$0x20];
	[tilespmem:s0+$0xFFFFFF10] =	vst v3;
	v3 =	vshll.u32 v0, $0x10  }
0x14b: {  	v0 =	vand.u32 $0xFFFF0000, v0;
	[tilespmem:s0+$0x0] =	vst v3  }
0x14c: {  	v7 =	vld [tilespmem:s31+$0x50];
	v6 =	vshll.u32 v1, $0x10;
	[tilespmem:s0+$0x10] =	vst v0  }
0x14d: {  	v3 =	vld [tilespmem:s31+$0x40];
	v0 =	vand.u32 $0xFFFF0000, v1;
	[tilespmem:s0+$0x20] =	vst v6  }
0x14e: {  	[tilespmem:s0+$0x30] =	vst v0;
	v6 =	vshll.u32 v2, $0x10  }
0x14f: {  	[tilespmem:s0+$0x60] =	vst v6;
	v1 =	vshll.u32 v5, $0x10  }
0x150: {  	v8 =	vand.u32 $0xFFFF0000, v2;
	v0 =	vand.u32 $0xFFFF0000, v5;
	[tilespmem:s0+$0x40] =	vst v1  }
0x151: {  	v2 =	vand.u32 $0xFFFF0000, v7;
	v1 =	vshll.u32 v4, $0x10;
	[tilespmem:s0+$0x50] =	vst v0;
	v0 =	vand.u32 $0xFFFF0000, v4  }
0x152: {  	s6 =	simm.s32 $0x0;
	s7 =	simm.s32 $0x9F80;
	[tilespmem:s0+$0x70] =	vst v8;
	v5 =	vshll.u32 v3, $0x10;
	v3 =	vand.u32 $0xFFFF0000, v3;
	v4 =	vshll.u32 v7, $0x10  }
.LBB2_10:
0x153: {  	v6 =	vld [tilespmem:s7+$0x70];
	s6 =	sadd.s32 $0x8, s6;
	[tilespmem:s0+$0x80] =	vst v5  }
0x154: {  	v5 =	vld [tilespmem:s7+$0xFFFFFF90];
	p2 =	slt.u32 s6, $0x78;
	[tilespmem:s0+$0x90] =	vst v3  }
0x155: {  	v3 =	vld [tilespmem:s7+$0xFFFFFFA0];
	[tilespmem:s0+$0xA0] =	vst v4  }
0x156: {  	v4 =	vld [tilespmem:s7+$0xFFFFFFB0];
	[tilespmem:s0+$0xB0] =	vst v2  }
0x157: {  	v2 =	vld [tilespmem:s7+$0xFFFFFFC0];
	[tilespmem:s0+$0xC0] =	vst v1  }
0x158: {  	v1 =	vld [tilespmem:s7+$0xFFFFFFD0];
	v7 =	vshll.u32 v6, $0x10;
	v6 =	vand.u32 $0xFFFF0000, v6;
	[tilespmem:s0+$0xD0] =	vst v0;
	s0 =	sadd.s32 $0x200, s0  }
0x159: {  	v8 =	vshll.u32 v5, $0x10;
	v5 =	vand.u32 $0xFFFF0000, v5;
	v0 =	vld [tilespmem:s7+$0x60];
	[tilespmem:s0+$0xF0] =	vst v6  }
0x15a: {  	v6 =	vshll.u32 v3, $0x10;
	v3 =	vand.u32 $0xFFFF0000, v3;
	v9 =	vld [tilespmem:s7+$0xFFFFFFE0];
	[tilespmem:s0+$0xE0] =	vst v7  }
0x15b: {  	[tilespmem:s0+$0xFFFFFF40] =	vst v6;
	v6 =	vshll.u32 v4, $0x10;
	v4 =	vand.u32 $0xFFFF0000, v4;
	v7 =	vld [tilespmem:s7+$0xFFFFFFF0]  }
0x15c: {  	[tilespmem:s0+$0xFFFFFF50] =	vst v3;
	v3 =	vshll.u32 v2, $0x10;
	v2 =	vand.u32 $0xFFFF0000, v2;
	v10 =	vld [tilespmem:s7+$0x0]  }
0x15d: {  	[tilespmem:s0+$0xFFFFFF60] =	vst v6;
	v6 =	vshll.u32 v1, $0x10;
	v11 =	vand.u32 $0xFFFF0000, v1;
	v12 =	vld [tilespmem:s7+$0x10]  }
0x15e: {  	[tilespmem:s0+$0xFFFFFF70] =	vst v4;
	v4 =	vld [tilespmem:s7+$0x20];
	v1 =	vshll.u32 v0, $0x10;
	v0 =	vand.u32 $0xFFFF0000, v0  }
0x15f: {  	[tilespmem:s0+$0xFFFFFF80] =	vst v3;
	v3 =	vshll.u32 v9, $0x10;
	v9 =	vand.u32 $0xFFFF0000, v9;
	v13 =	vld [tilespmem:s7+$0x30]  }
0x160: {  	[tilespmem:s0+$0xFFFFFF90] =	vst v2;
	v14 =	vshll.u32 v7, $0x10;
	v7 =	vand.u32 $0xFFFF0000, v7;
	v2 =	vld [tilespmem:s7+$0x40]  }
0x161: {  	[tilespmem:s0+$0xFFFFFFA0] =	vst v6;
	v6 =	vshll.u32 v10, $0x10;
	v10 =	vand.u32 $0xFFFF0000, v10;
	v15 =	vld [tilespmem:s7+$0x50]  }
0x162: {  	v16 =	vld [tilespmem:s7+$0xFFFFFF80];
	[tilespmem:s0+$0xFFFFFF20] =	vst v8;
	v8 =	vshll.u32 v12, $0x10;
	v12 =	vand.u32 $0xFFFF0000, v12  }
0x163: {  	[tilespmem:s0+$0xFFFFFF30] =	vst v5;
	v17 =	vshll.u32 v4, $0x10;
	v18 =	vand.u32 $0xFFFF0000, v4  }
0x164: {  	[tilespmem:s0+$0xFFFFFFB0] =	vst v11;
	v11 =	vshll.u32 v13, $0x10;
	v13 =	vand.u32 $0xFFFF0000, v13  }
0x165: {  	[tilespmem:s0+$0xFFFFFFC0] =	vst v3;
	v5 =	vshll.u32 v2, $0x10;
	v3 =	vand.u32 $0xFFFF0000, v2  }
0x166: {  	[tilespmem:s0+$0xFFFFFFD0] =	vst v9;
	v4 =	vshll.u32 v15, $0x10;
	v2 =	vand.u32 $0xFFFF0000, v15  }
0x167: {  	v9 =	vshll.u32 v16, $0x10;
	v15 =	vand.u32 $0xFFFF0000, v16;
	[tilespmem:s0+$0xFFFFFFE0] =	vst v14  }
0x168: {  	[tilespmem:s0+$0xFFFFFF00] =	vst v9  }
0x169: {  	[tilespmem:s0+$0xFFFFFF10] =	vst v15  }
0x16a: {  	[tilespmem:s0+$0xFFFFFFF0] =	vst v7  }
0x16b: {  	[tilespmem:s0+$0x0] =	vst v6  }
0x16c: {  	[tilespmem:s0+$0x10] =	vst v10  }
0x16d: {  	[tilespmem:s0+$0x20] =	vst v8  }
.Ltmp4:
0x16e: {  	[tilespmem:s0+$0x30] =	vst v12;
	(pc) =	sbr.rel @p2 .LBB2_10-.Ltmp4, $4  }
0x16f: {  	[tilespmem:s0+$0x40] =	vst v17  }
0x170: {  	[tilespmem:s0+$0x50] =	vst v18  }
0x171: {  	[tilespmem:s0+$0x60] =	vst v11  }
0x172: {  	s7 =	sadd.s32 $0x100, s7;
	[tilespmem:s0+$0x70] =	vst v13  }
0x173: {  	[tilespmem:s0+$0x80] =	vst v5  }
0x174: {  	[tilespmem:s0+$0x90] =	vst v3  }
0x175: {  	[tilespmem:s0+$0xA0] =	vst v4  }
0x176: {  	[tilespmem:s0+$0xB0] =	vst v2  }
0x177: {  	[tilespmem:s0+$0xC0] =	vst v1  }
0x178: {  	[tilespmem:s0+$0xD0] =	vst v0;
	s30 =	simm.s32 $0x9D00  }
0x179: {  	[spmem:s1] =	stream.indirect.scatter.add.f32 [tilespmem:s26], [sflag:$0x4], $0x40, s30, s21, $0xb8;
	[tilespmem:$0x1BB80] =	vst v63  }
0x17a: {  	_ =	swait.ge [sflag:s17], $0x2000  }
0x17b: {  	s0 =	simm.s32 @!p0 $0x80;
	[sflag:s17] =	ssyncset.done $0x0  }
0x17c: {  	s6 =	simm.s32 @!p0 $0x9D80;
	s7 =	simm.s32 @!p0 $0xEE00;
	[sflag:s17] =	ssyncadd.s32 $0xFFFFE000  }
0x17d: {  	[spmem:s3] =	stream.indirect.scatter.add.f32 @!p0 [tilespmem:s7], [sflag:$0x4], $0x10, s6, s0, $0xb8;
	[tilespmem:$0x1BB80] =	vst v63  }
0x17e: {  	s0 =	simm.s32 @!p0 $0x4  }
0x17f: {  	_ =	swait.ge @!p0 [sflag:s0], $0x800  }
0x180: {  	[sflag:s0] =	ssyncset.done @!p0 $0x0  }
0x181: {  	[sflag:s0] =	ssyncadd.s32 @!p0 $0xFFFFF800  }
0x182: {  	_ =	swait.ge [sflag:s28], $0x1000  }
0x183: {  	[sflag:s28] =	ssyncset.done $0x0  }
0x184: {  	s31 =	simm.s32 $0xAE80;
	[sflag:s28] =	ssyncadd.s32 $0xFFFFF000  }
0x185: {  	v0 =	vld [tilespmem:s31+$0x70];
	_ =	sdelay $0x1  }
0x186: {  	v2 =	vld [tilespmem:s31+$0xFFFFFFB0]  }
0x187: {  	v1 =	vld [tilespmem:s31+$0xFFFFFFA0];
	_ =	sdelay $0x1  }
0x188: {  	s0 =	simm.s32 $0xCF00;
	v4 =	vld [tilespmem:s31+$0x60];
	v3 =	vand.u32 $0xFFFF0000, v0  }
0x189: {  	v5 =	vld [tilespmem:s31+$0xFFFFFFC0];
	v0 =	vshll.u32 v0, $0x10;
	[tilespmem:s0+$0xF0] =	vst v3  }
0x18a: {  	v6 =	vshll.u32 v2, $0x10;
	[tilespmem:s0+$0xE0] =	vst v0  }
0x18b: {  	v3 =	vshll.u32 v1, $0x10;
	v0 =	vld [tilespmem:s31+$0xFFFFFFD0];
	[tilespmem:s0+$0xFFFFFF60] =	vst v6  }
0x18c: {  	v1 =	vand.u32 $0xFFFF0000, v1;
	[tilespmem:s0+$0xFFFFFF40] =	vst v3  }
0x18d: {  	v3 =	vld [tilespmem:s31+$0xFFFFFF90];
	[tilespmem:s0+$0xFFFFFF50] =	vst v1;
	v1 =	vand.u32 $0xFFFF0000, v2  }
0x18e: {  	v2 =	vshll.u32 v5, $0x10;
	[tilespmem:s0+$0xFFFFFF70] =	vst v1  }
0x18f: {  	v5 =	vand.u32 $0xFFFF0000, v5;
	v1 =	vld [tilespmem:s31+$0xFFFFFFE0];
	[tilespmem:s0+$0xFFFFFF80] =	vst v2  }
0x190: {  	[tilespmem:s0+$0xFFFFFF90] =	vst v5;
	v6 =	vshll.u32 v0, $0x10  }
0x191: {  	v2 =	vld [tilespmem:s31+$0xFFFFFFF0];
	v0 =	vand.u32 $0xFFFF0000, v0;
	[tilespmem:s0+$0xFFFFFFA0] =	vst v6  }
0x192: {  	v5 =	vshll.u32 v3, $0x10;
	[tilespmem:s0+$0xFFFFFFB0] =	vst v0  }
0x193: {  	v6 =	vld [tilespmem:s31+$0xFFFFFF80];
	v3 =	vand.u32 $0xFFFF0000, v3;
	[tilespmem:s0+$0xFFFFFF20] =	vst v5  }
0x194: {  	[tilespmem:s0+$0xFFFFFF30] =	vst v3;
	v3 =	vshll.u32 v1, $0x10  }
0x195: {  	v0 =	vld [tilespmem:s31+$0x0];
	v1 =	vand.u32 $0xFFFF0000, v1;
	[tilespmem:s0+$0xFFFFFFC0] =	vst v3  }
0x196: {  	v3 =	vshll.u32 v2, $0x10;
	[tilespmem:s0+$0xFFFFFFD0] =	vst v1  }
0x197: {  	v1 =	vld [tilespmem:s31+$0x10];
	v2 =	vand.u32 $0xFFFF0000, v2;
	[tilespmem:s0+$0xFFFFFFE0] =	vst v3  }
0x198: {  	[tilespmem:s0+$0xFFFFFFF0] =	vst v2;
	v5 =	vshll.u32 v6, $0x10  }
0x199: {  	v2 =	vld [tilespmem:s31+$0x30];
	v3 =	vand.u32 $0xFFFF0000, v6;
	[tilespmem:s0+$0xFFFFFF00] =	vst v5  }
0x19a: {  	v5 =	vld [tilespmem:s31+$0x20];
	[tilespmem:s0+$0xFFFFFF10] =	vst v3;
	v3 =	vshll.u32 v0, $0x10  }
0x19b: {  	v0 =	vand.u32 $0xFFFF0000, v0;
	[tilespmem:s0+$0x0] =	vst v3  }
0x19c: {  	v7 =	vld [tilespmem:s31+$0x50];
	v6 =	vshll.u32 v1, $0x10;
	[tilespmem:s0+$0x10] =	vst v0  }
0x19d: {  	v3 =	vld [tilespmem:s31+$0x40];
	v0 =	vand.u32 $0xFFFF0000, v1;
	[tilespmem:s0+$0x20] =	vst v6  }
0x19e: {  	[tilespmem:s0+$0x30] =	vst v0;
	v6 =	vshll.u32 v2, $0x10  }
0x19f: {  	[tilespmem:s0+$0x60] =	vst v6;
	v1 =	vshll.u32 v5, $0x10  }
0x1a0: {  	v8 =	vand.u32 $0xFFFF0000, v2;
	v0 =	vand.u32 $0xFFFF0000, v5;
	[tilespmem:s0+$0x40] =	vst v1  }
0x1a1: {  	v2 =	vand.u32 $0xFFFF0000, v7;
	v1 =	vshll.u32 v4, $0x10;
	[tilespmem:s0+$0x50] =	vst v0;
	v0 =	vand.u32 $0xFFFF0000, v4  }
0x1a2: {  	s6 =	simm.s32 $0x0;
	s7 =	simm.s32 $0xAF80;
	[tilespmem:s0+$0x70] =	vst v8;
	v5 =	vshll.u32 v3, $0x10;
	v3 =	vand.u32 $0xFFFF0000, v3;
	v4 =	vshll.u32 v7, $0x10  }
.LBB2_12:
0x1a3: {  	v6 =	vld [tilespmem:s7+$0x70];
	s6 =	sadd.s32 $0x8, s6;
	[tilespmem:s0+$0x80] =	vst v5  }
0x1a4: {  	v5 =	vld [tilespmem:s7+$0xFFFFFF90];
	p2 =	slt.u32 s6, $0x78;
	[tilespmem:s0+$0x90] =	vst v3  }
0x1a5: {  	v3 =	vld [tilespmem:s7+$0xFFFFFFA0];
	[tilespmem:s0+$0xA0] =	vst v4  }
0x1a6: {  	v4 =	vld [tilespmem:s7+$0xFFFFFFB0];
	[tilespmem:s0+$0xB0] =	vst v2  }
0x1a7: {  	v2 =	vld [tilespmem:s7+$0xFFFFFFC0];
	[tilespmem:s0+$0xC0] =	vst v1  }
0x1a8: {  	v1 =	vld [tilespmem:s7+$0xFFFFFFD0];
	v7 =	vshll.u32 v6, $0x10;
	v6 =	vand.u32 $0xFFFF0000, v6;
	[tilespmem:s0+$0xD0] =	vst v0;
	s0 =	sadd.s32 $0x200, s0  }
0x1a9: {  	v8 =	vshll.u32 v5, $0x10;
	v5 =	vand.u32 $0xFFFF0000, v5;
	v0 =	vld [tilespmem:s7+$0x60];
	[tilespmem:s0+$0xF0] =	vst v6  }
0x1aa: {  	v6 =	vshll.u32 v3, $0x10;
	v3 =	vand.u32 $0xFFFF0000, v3;
	v9 =	vld [tilespmem:s7+$0xFFFFFFE0];
	[tilespmem:s0+$0xE0] =	vst v7  }
0x1ab: {  	[tilespmem:s0+$0xFFFFFF40] =	vst v6;
	v6 =	vshll.u32 v4, $0x10;
	v4 =	vand.u32 $0xFFFF0000, v4;
	v7 =	vld [tilespmem:s7+$0xFFFFFFF0]  }
0x1ac: {  	[tilespmem:s0+$0xFFFFFF50] =	vst v3;
	v3 =	vshll.u32 v2, $0x10;
	v2 =	vand.u32 $0xFFFF0000, v2;
	v10 =	vld [tilespmem:s7+$0x0]  }
0x1ad: {  	[tilespmem:s0+$0xFFFFFF60] =	vst v6;
	v6 =	vshll.u32 v1, $0x10;
	v11 =	vand.u32 $0xFFFF0000, v1;
	v12 =	vld [tilespmem:s7+$0x10]  }
0x1ae: {  	[tilespmem:s0+$0xFFFFFF70] =	vst v4;
	v4 =	vld [tilespmem:s7+$0x20];
	v1 =	vshll.u32 v0, $0x10;
	v0 =	vand.u32 $0xFFFF0000, v0  }
0x1af: {  	[tilespmem:s0+$0xFFFFFF80] =	vst v3;
	v3 =	vshll.u32 v9, $0x10;
	v9 =	vand.u32 $0xFFFF0000, v9;
	v13 =	vld [tilespmem:s7+$0x30]  }
0x1b0: {  	[tilespmem:s0+$0xFFFFFF90] =	vst v2;
	v14 =	vshll.u32 v7, $0x10;
	v7 =	vand.u32 $0xFFFF0000, v7;
	v2 =	vld [tilespmem:s7+$0x40]  }
0x1b1: {  	[tilespmem:s0+$0xFFFFFFA0] =	vst v6;
	v6 =	vshll.u32 v10, $0x10;
	v10 =	vand.u32 $0xFFFF0000, v10;
	v15 =	vld [tilespmem:s7+$0x50]  }
0x1b2: {  	v16 =	vld [tilespmem:s7+$0xFFFFFF80];
	[tilespmem:s0+$0xFFFFFF20] =	vst v8;
	v8 =	vshll.u32 v12, $0x10;
	v12 =	vand.u32 $0xFFFF0000, v12  }
0x1b3: {  	[tilespmem:s0+$0xFFFFFF30] =	vst v5;
	v17 =	vshll.u32 v4, $0x10;
	v18 =	vand.u32 $0xFFFF0000, v4  }
0x1b4: {  	[tilespmem:s0+$0xFFFFFFB0] =	vst v11;
	v11 =	vshll.u32 v13, $0x10;
	v13 =	vand.u32 $0xFFFF0000, v13  }
0x1b5: {  	[tilespmem:s0+$0xFFFFFFC0] =	vst v3;
	v5 =	vshll.u32 v2, $0x10;
	v3 =	vand.u32 $0xFFFF0000, v2  }
0x1b6: {  	[tilespmem:s0+$0xFFFFFFD0] =	vst v9;
	v4 =	vshll.u32 v15, $0x10;
	v2 =	vand.u32 $0xFFFF0000, v15  }
0x1b7: {  	v9 =	vshll.u32 v16, $0x10;
	v15 =	vand.u32 $0xFFFF0000, v16;
	[tilespmem:s0+$0xFFFFFFE0] =	vst v14  }
0x1b8: {  	[tilespmem:s0+$0xFFFFFF00] =	vst v9  }
0x1b9: {  	[tilespmem:s0+$0xFFFFFF10] =	vst v15  }
0x1ba: {  	[tilespmem:s0+$0xFFFFFFF0] =	vst v7  }
0x1bb: {  	[tilespmem:s0+$0x0] =	vst v6  }
0x1bc: {  	[tilespmem:s0+$0x10] =	vst v10  }
0x1bd: {  	[tilespmem:s0+$0x20] =	vst v8  }
.Ltmp5:
0x1be: {  	[tilespmem:s0+$0x30] =	vst v12;
	(pc) =	sbr.rel @p2 .LBB2_12-.Ltmp5, $4  }
0x1bf: {  	[tilespmem:s0+$0x40] =	vst v17  }
0x1c0: {  	[tilespmem:s0+$0x50] =	vst v18  }
0x1c1: {  	[tilespmem:s0+$0x60] =	vst v11  }
0x1c2: {  	s7 =	sadd.s32 $0x100, s7;
	[tilespmem:s0+$0x70] =	vst v13  }
0x1c3: {  	[tilespmem:s0+$0x80] =	vst v5  }
0x1c4: {  	[tilespmem:s0+$0x90] =	vst v3  }
0x1c5: {  	[tilespmem:s0+$0xA0] =	vst v4  }
0x1c6: {  	[tilespmem:s0+$0xB0] =	vst v2  }
0x1c7: {  	[tilespmem:s0+$0xC0] =	vst v1  }
0x1c8: {  	[tilespmem:s0+$0xD0] =	vst v0;
	s31 =	simm.s32 $0x9D80  }
0x1c9: {  	[spmem:s1] =	stream.indirect.scatter.add.f32 [tilespmem:s26], [sflag:$0x4], $0x40, s31, s21, $0xb8;
	[tilespmem:$0x1BB80] =	vst v63  }
0x1ca: {  	_ =	swait.ge [sflag:s17], $0x2000  }
0x1cb: {  	[sflag:s17] =	ssyncset.done $0x0  }
0x1cc: {  	[sflag:s17] =	ssyncadd.s32 $0xFFFFE000  }
0x1cd: {  	[bflag:$0x0] =	sbarrier.arrive $0xFFFF  }
0x1ce: {  	[hbm:s12], [sflag:s9] =	dma.local [spmem:s16], $0x13C0  }
0x1cf: {  	s2 =	sadd.s32 $0x1, s2;
	_ =	swait.ge [sflag:s17], $0x13C0  }
0x1d0: {  	p2 =	sne.s32 s2, s14;
	[sflag:s17] =	ssyncset.done $0x0  }
.Ltmp6:
0x1d1: {  	[sflag:s17] =	ssyncadd.s32 $0xFFFFEC40;
	(pc) =	sbr.rel @p2 .LBB2_1-.Ltmp6, $4  }
0x1d2: {  	[hbm:s13], [sflag:s9] =	dma.local [spmem:s18], $0x4F0  }
0x1d3: {  	_ =	swait.ge [sflag:s17], $0x4F0  }
0x1d4: {  	[sflag:s17] =	ssyncset.done $0x0  }
0x1d5: {  	[sflag:s17] =	ssyncadd.s32 $0xFFFFFB10  }
0x1d6: {  	_ =	sfence.sel $0x180000  }
0x1d7: {  	[bflag:$0x0] =	sbarrier.arrive $0xFFFF  }
0x1d8: {  	_ =	strace $0x90000047  }
0x1d9: {  	s0 =	stileid.u32;
	[bflag:$0x2] =	sbarrier.arrive $0xFFFF  }
0x1da: {  	p0 =	sne.s32 s0, $0x0;
	s0 =	rddreg [dreg:$0x4]  }
0x1db: {  	s0 =	sadd.s32 @!p0 $0x100000, s0  }
0x1dc: {  	[sflag:s0] =	ssyncadd.tile.s32 @!p0 $0x1;
	_ =	shalt  }
.Lfunc_end2:
_tile_overlayer_lowered:
.L_overlay_start_2:
0x1dd: {  	(tag) =	ssettag $0x2  }
0x1de: {  	s0 =	rddreg [dreg:$0x0];
	s2 =	stileid.u32  }
0x1df: {  	s1 =	rddreg [dreg:$0x1];
	p0 =	sne.s32 s2, $0x0  }
0x1e0: {  	s3 =	rddreg [dreg:$0x2];
	[bflag:$0x3] =	sbarrier.arrive $0xFFFF;
	s2 =	simm.s32 @!p0 $0x1C04  }
0x1e1: {  	[timem:s3], [sflag:s2] =	dma.local @!p0 [hbm:s0], s1  }
0x1e2: {  	s0 =	simm.s32 @!p0 $0x4  }
0x1e3: {  	_ =	swait.ge @!p0 [sflag:s0], s1  }
0x1e4: {  	s1 =	ssub.s32 @!p0 $0x0, s1;
	[sflag:s0] =	ssyncset.done @!p0 $0x0  }
0x1e5: {  	[sflag:s0] =	ssyncadd.s32 @!p0 s1  }
0x1e6: {  	[bflag:$0x3] =	sbarrier.arrive $0xFFFF  }
0x1e7: {  	_ =	shalt  }

</sc_bundles>
